<compile_context>
chip_gen: v7x
topology: tpu7x:2x2x1
jax: 0.10.2.dev20260603
libtpu: 0.0.44.dev20260713+nightly
codegen_flags: <defaults>
</compile_context>

<pallas_src>
import functools

import jax
import jax.numpy as jnp
from jax import lax
from jax.experimental import pallas as pl
from jax.experimental.pallas import tpu as pltpu
from jax.experimental.pallas import tpu_sc as plsc

D = 64
B_ROWS = 4096
SEQ = 200
NC = 2
NS = 16
NW = NC * NS
RPW = B_ROWS // NW
C0 = 128
C1 = SEQ - C0
NB = 4
LA = 2

_mesh = plsc.VectorSubcoreMesh(core_axis_name="c", subcore_axis_name="s")


@functools.partial(
    pl.kernel,
    out_type=jax.ShapeDtypeStruct((B_ROWS, SEQ, D), jnp.float32),
    mesh=_mesh,
    scratch_types=[
        pltpu.VMEM((RPW, SEQ), jnp.int32),
        [pltpu.VMEM((SEQ, D), jnp.float32)] * NB,
        [pltpu.SemaphoreType.DMA] * NB,
        [pltpu.SemaphoreType.DMA] * NB,
    ],
    compiler_params=pltpu.CompilerParams(use_tc_tiling_on_sc=False),
)
def _gather_kernel(idx_hbm, table_hbm, out_hbm, idx_v, rows, sem_g, sem_o):
    wid = lax.axis_index("s") * NC + lax.axis_index("c")
    row0 = wid * RPW
    pltpu.sync_copy(idx_hbm.at[pl.ds(row0, RPW)], idx_v)

    def fire_gathers(r, b):
        pltpu.async_copy(table_hbm.at[idx_v.at[r, pl.ds(0, C0)]],
                         rows[b].at[pl.ds(0, C0)], sem_g[b])
        pltpu.async_copy(table_hbm.at[idx_v.at[r, pl.ds(C0, C1)]],
                         rows[b].at[pl.ds(C0, C1)], sem_g[b])

    def wait_gathers(r, b):
        pltpu.make_async_copy(table_hbm.at[idx_v.at[r, pl.ds(0, C0)]],
                              rows[b].at[pl.ds(0, C0)], sem_g[b]).wait()
        pltpu.make_async_copy(table_hbm.at[idx_v.at[r, pl.ds(C0, C1)]],
                              rows[b].at[pl.ds(C0, C1)], sem_g[b]).wait()

    def fire_out(r, b):
        pltpu.async_copy(rows[b], out_hbm.at[row0 + r], sem_o[b])

    def wait_out(r, b):
        pltpu.make_async_copy(rows[b], out_hbm.at[row0 + r], sem_o[b]).wait()

    for b in range(LA):
        fire_gathers(b, b)

    for b in range(NB):
        r = b
        wait_gathers(r, b)
        fire_out(r, b)
        bn = (b + LA) % NB
        if r >= LA:
            wait_out(r - LA, bn)
        fire_gathers(r + LA, bn)

    def round_body(g, carry):
        r0 = g * NB
        for b in range(NB):
            r = r0 + b
            wait_gathers(r, b)
            fire_out(r, b)
            bn = (b + LA) % NB
            wait_out(r - LA, bn)
            fire_gathers(r + LA, bn)
        return carry

    lax.fori_loop(1, RPW // NB - 1, round_body, 0)

    r0 = RPW - NB
    for b in range(NB):
        r = r0 + b
        wait_gathers(r, b)
        fire_out(r, b)
        if b < LA:
            bn = (b + LA) % NB
            wait_out(r - LA, bn)
            fire_gathers(r + LA, bn)

    for b in range(NB):
        wait_out(r0 + b, b)


def kernel(input_, weight):
    return _gather_kernel(input_.astype(jnp.int32), weight)

# --- scband reference (transcript-rebuilt; emitter-appended) ---
"""Pipeline reference for scband-vocab-parallel-embedding-13237089206426 (READ-ONLY COPY).

The authoritative reference and input builder live on the scoring server;
editing this copy changes nothing except your own understanding.
"""

import jax, jax.numpy as jnp
import numpy as np

NUM_EMBEDDINGS = 1000000
EMBEDDING_DIM = 64

def setup_inputs(seed: int = 0) -> dict:
    key = jax.random.key(seed)
    k_idx, k_w = jax.random.split(key)
    input_ = jax.random.randint(k_idx, (4096, 200), 0, NUM_EMBEDDINGS, dtype=jnp.int64 if jax.config.jax_enable_x64 else jnp.int32)
    # xavier_normal_ for a (num_embeddings, embedding_dim) matrix
    std = float(np.sqrt(2.0 / (NUM_EMBEDDINGS + EMBEDDING_DIM)))
    weight = jax.random.normal(k_w, (NUM_EMBEDDINGS, EMBEDDING_DIM), dtype=jnp.float32) * std
    return {"input_": input_, "weight": weight}

def reference(input_, weight):
    # tensor_model_parallel_size == 1 path: masked_input = input_; F.embedding -> gather rows
    output = jnp.take(weight, input_, axis=0)
    # reduce_from_tensor_model_parallel_region is identity at world_size 1
    return output

if __name__ == "__main__":
    import jax
    _d = setup_inputs()
    print(jax.jit(kernel)(*tuple(_d.values())))

</pallas_src>

<mosaic_0001>
#map = affine_map<(d0, d1) -> (0, 0)>
#map1 = affine_map<(d0, d1) -> (0, 0, 0)>
module attributes {stable_mosaic.version = 14 : i64} {
  func.func @_gather_kernel(%arg0: i32, %arg1: i32, %arg2: memref<4096x200xi32, #tpu.memory_space<hbm>>, %arg3: memref<1000000x64xf32, #tpu.memory_space<hbm>>, %arg4: memref<4096x200x64xf32, #tpu.memory_space<hbm>>, %arg5: memref<128x200xi32, #tpu.memory_space<vmem>>, %arg6: memref<200x64xf32, #tpu.memory_space<vmem>>, %arg7: memref<200x64xf32, #tpu.memory_space<vmem>>, %arg8: memref<200x64xf32, #tpu.memory_space<vmem>>, %arg9: memref<200x64xf32, #tpu.memory_space<vmem>>, %arg10: memref<!tpu.dma_semaphore, #tpu.memory_space<semaphore_mem>>, %arg11: memref<!tpu.dma_semaphore, #tpu.memory_space<semaphore_mem>>, %arg12: memref<!tpu.dma_semaphore, #tpu.memory_space<semaphore_mem>>, %arg13: memref<!tpu.dma_semaphore, #tpu.memory_space<semaphore_mem>>, %arg14: memref<!tpu.dma_semaphore, #tpu.memory_space<semaphore_mem>>, %arg15: memref<!tpu.dma_semaphore, #tpu.memory_space<semaphore_mem>>, %arg16: memref<!tpu.dma_semaphore, #tpu.memory_space<semaphore_mem>>, %arg17: memref<!tpu.dma_semaphore, #tpu.memory_space<semaphore_mem>>) attributes {dimension_semantics = [#tpu.dimension_semantics<core_parallel>, #tpu.dimension_semantics<subcore_parallel>], iteration_bounds = array<i64: 2, 16>, scalar_prefetch = 0 : i64, scratch_operands = 13 : i64, tpu.core_type = #tpu.core_type<sc_vector_subcore>, window_params = [{transform_indices = #map}, {transform_indices = #map}, {transform_indices = #map1}]} {
    %mul3A = arith.constant 2 : i32
    %mul3A_0 = arith.muli %arg1, %mul3A : i32
    %add3A = arith.addi %mul3A_0, %arg0 : i32
    %mul3A_1 = arith.constant 128 : i32
    %mul3A_2 = arith.muli %add3A, %mul3A_1 : i32
    "tpu.region"() ({
      %run_scoped3A = tpu.sem_alloc : memref<!tpu.dma_semaphore, #tpu.memory_space<semaphore_mem>>
      %dma_start3A_486 = arith.constant 0 : i32
      %dma_start3A_487 = tpu.memref_slice %arg2[%mul3A_2, %dma_start3A_486] : memref<4096x200xi32, #tpu.memory_space<hbm>> -> memref<128x200xi32, #tpu.memory_space<hbm>>
      %dma_start3A_488 = arith.constant 0 : i32
      %dma_start3A_489 = tpu.memref_slice %arg2[%mul3A_2, %dma_start3A_488] : memref<4096x200xi32, #tpu.memory_space<hbm>> -> memref<128x200xi32, #tpu.memory_space<hbm>>
      tpu.enqueue_dma source(%dma_start3A_489 : memref<128x200xi32, #tpu.memory_space<hbm>>) target(%arg5 : memref<128x200xi32, #tpu.memory_space<vmem>>) target_semaphore(%run_scoped3A : memref<!tpu.dma_semaphore, #tpu.memory_space<semaphore_mem>>)
      %dma_wait3A_490 = arith.constant 0 : i32
      %dma_wait3A_491 = tpu.memref_slice %arg2[%mul3A_2, %dma_wait3A_490] : memref<4096x200xi32, #tpu.memory_space<hbm>> -> memref<128x200xi32, #tpu.memory_space<hbm>>
      %dma_wait3A_492 = arith.constant 0 : i32
      %dma_wait3A_493 = tpu.memref_slice %arg2[%mul3A_2, %dma_wait3A_492] : memref<4096x200xi32, #tpu.memory_space<hbm>> -> memref<128x200xi32, #tpu.memory_space<hbm>>
      tpu.wait_dma2 semaphore(%run_scoped3A : memref<!tpu.dma_semaphore, #tpu.memory_space<semaphore_mem>>) src(%dma_wait3A_493 : memref<128x200xi32, #tpu.memory_space<hbm>>) dst(%arg5 : memref<128x200xi32, #tpu.memory_space<vmem>>)
      tpu.yield
    }) : () -> ()
    %dma_start3A = arith.constant 0 : i32
    %dma_start3A_3 = arith.constant 0 : i32
    %dma_start3A_4 = arith.constant 0 : i32
    %dma_start3A_5 = tpu.memref_slice %arg6[%dma_start3A_3, %dma_start3A_4] : memref<200x64xf32, #tpu.memory_space<vmem>> -> memref<128x64xf32, #tpu.memory_space<vmem>>
    %dma_start3A_6 = arith.constant 0 : i32
    %dma_start3A_7 = tpu.memref_slice %arg5[%dma_start3A, %dma_start3A_6] : memref<128x200xi32, #tpu.memory_space<vmem>> -> memref<1x128xi32, #tpu.memory_space<vmem>>
    %dma_start3A_8 = tpu.memref_squeeze %dma_start3A_7 : memref<1x128xi32, #tpu.memory_space<vmem>> -> memref<128xi32, #tpu.memory_space<vmem>>
    %dma_start3A_9 = arith.constant 0 : i32
    %dma_start3A_10 = arith.constant 0 : i32
    %dma_start3A_11 = tpu.memref_slice %arg3[%dma_start3A_9, %dma_start3A_10] : memref<1000000x64xf32, #tpu.memory_space<hbm>> -> memref<1000000x64xf32, #tpu.memory_space<hbm>>
    tpu.enqueue_indirect_dma source(%dma_start3A_11 : memref<1000000x64xf32, #tpu.memory_space<hbm>>) target(%dma_start3A_5 : memref<128x64xf32, #tpu.memory_space<vmem>>) offsets(%dma_start3A_8 : memref<128xi32, #tpu.memory_space<vmem>>) semaphore(%arg10 : memref<!tpu.dma_semaphore, #tpu.memory_space<semaphore_mem>>)
    %dma_start3A_12 = arith.constant 0 : i32
    %dma_start3A_13 = arith.constant 128 : i32
    %dma_start3A_14 = arith.constant 0 : i32
    %dma_start3A_15 = tpu.memref_slice %arg6[%dma_start3A_13, %dma_start3A_14] : memref<200x64xf32, #tpu.memory_space<vmem>> -> memref<72x64xf32, #tpu.memory_space<vmem>>
    %dma_start3A_16 = arith.constant 128 : i32
    %dma_start3A_17 = tpu.memref_slice %arg5[%dma_start3A_12, %dma_start3A_16] : memref<128x200xi32, #tpu.memory_space<vmem>> -> memref<1x72xi32, #tpu.memory_space<vmem>>
    %dma_start3A_18 = tpu.memref_squeeze %dma_start3A_17 : memref<1x72xi32, #tpu.memory_space<vmem>> -> memref<72xi32, #tpu.memory_space<vmem>>
    %dma_start3A_19 = arith.constant 0 : i32
    %dma_start3A_20 = arith.constant 0 : i32
    %dma_start3A_21 = tpu.memref_slice %arg3[%dma_start3A_19, %dma_start3A_20] : memref<1000000x64xf32, #tpu.memory_space<hbm>> -> memref<1000000x64xf32, #tpu.memory_space<hbm>>
    tpu.enqueue_indirect_dma source(%dma_start3A_21 : memref<1000000x64xf32, #tpu.memory_space<hbm>>) target(%dma_start3A_15 : memref<72x64xf32, #tpu.memory_space<vmem>>) offsets(%dma_start3A_18 : memref<72xi32, #tpu.memory_space<vmem>>) semaphore(%arg10 : memref<!tpu.dma_semaphore, #tpu.memory_space<semaphore_mem>>)
    %dma_start3A_22 = arith.constant 1 : i32
    %dma_start3A_23 = arith.constant 0 : i32
    %dma_start3A_24 = arith.constant 0 : i32
    %dma_start3A_25 = tpu.memref_slice %arg7[%dma_start3A_23, %dma_start3A_24] : memref<200x64xf32, #tpu.memory_space<vmem>> -> memref<128x64xf32, #tpu.memory_space<vmem>>
    %dma_start3A_26 = arith.constant 0 : i32
    %dma_start3A_27 = tpu.memref_slice %arg5[%dma_start3A_22, %dma_start3A_26] : memref<128x200xi32, #tpu.memory_space<vmem>> -> memref<1x128xi32, #tpu.memory_space<vmem>>
    %dma_start3A_28 = tpu.memref_squeeze %dma_start3A_27 : memref<1x128xi32, #tpu.memory_space<vmem>> -> memref<128xi32, #tpu.memory_space<vmem>>
    %dma_start3A_29 = arith.constant 0 : i32
    %dma_start3A_30 = arith.constant 0 : i32
    %dma_start3A_31 = tpu.memref_slice %arg3[%dma_start3A_29, %dma_start3A_30] : memref<1000000x64xf32, #tpu.memory_space<hbm>> -> memref<1000000x64xf32, #tpu.memory_space<hbm>>
    tpu.enqueue_indirect_dma source(%dma_start3A_31 : memref<1000000x64xf32, #tpu.memory_space<hbm>>) target(%dma_start3A_25 : memref<128x64xf32, #tpu.memory_space<vmem>>) offsets(%dma_start3A_28 : memref<128xi32, #tpu.memory_space<vmem>>) semaphore(%arg11 : memref<!tpu.dma_semaphore, #tpu.memory_space<semaphore_mem>>)
    %dma_start3A_32 = arith.constant 1 : i32
    %dma_start3A_33 = arith.constant 128 : i32
    %dma_start3A_34 = arith.constant 0 : i32
    %dma_start3A_35 = tpu.memref_slice %arg7[%dma_start3A_33, %dma_start3A_34] : memref<200x64xf32, #tpu.memory_space<vmem>> -> memref<72x64xf32, #tpu.memory_space<vmem>>
    %dma_start3A_36 = arith.constant 128 : i32
    %dma_start3A_37 = tpu.memref_slice %arg5[%dma_start3A_32, %dma_start3A_36] : memref<128x200xi32, #tpu.memory_space<vmem>> -> memref<1x72xi32, #tpu.memory_space<vmem>>
    %dma_start3A_38 = tpu.memref_squeeze %dma_start3A_37 : memref<1x72xi32, #tpu.memory_space<vmem>> -> memref<72xi32, #tpu.memory_space<vmem>>
    %dma_start3A_39 = arith.constant 0 : i32
    %dma_start3A_40 = arith.constant 0 : i32
    %dma_start3A_41 = tpu.memref_slice %arg3[%dma_start3A_39, %dma_start3A_40] : memref<1000000x64xf32, #tpu.memory_space<hbm>> -> memref<1000000x64xf32, #tpu.memory_space<hbm>>
    tpu.enqueue_indirect_dma source(%dma_start3A_41 : memref<1000000x64xf32, #tpu.memory_space<hbm>>) target(%dma_start3A_35 : memref<72x64xf32, #tpu.memory_space<vmem>>) offsets(%dma_start3A_38 : memref<72xi32, #tpu.memory_space<vmem>>) semaphore(%arg11 : memref<!tpu.dma_semaphore, #tpu.memory_space<semaphore_mem>>)
    %dma_wait3A = arith.constant 0 : i32
    %dma_wait3A_42 = arith.constant 0 : i32
    %dma_wait3A_43 = arith.constant 0 : i32
    %dma_wait3A_44 = tpu.memref_slice %arg6[%dma_wait3A_42, %dma_wait3A_43] : memref<200x64xf32, #tpu.memory_space<vmem>> -> memref<128x64xf32, #tpu.memory_space<vmem>>
    %dma_wait3A_45 = arith.constant 0 : i32
    %dma_wait3A_46 = tpu.memref_slice %arg5[%dma_wait3A, %dma_wait3A_45] : memref<128x200xi32, #tpu.memory_space<vmem>> -> memref<1x128xi32, #tpu.memory_space<vmem>>
    %dma_wait3A_47 = tpu.memref_squeeze %dma_wait3A_46 : memref<1x128xi32, #tpu.memory_space<vmem>> -> memref<128xi32, #tpu.memory_space<vmem>>
    %dma_wait3A_48 = arith.constant 0 : i32
    %dma_wait3A_49 = arith.constant 0 : i32
    %dma_wait3A_50 = tpu.memref_slice %arg3[%dma_wait3A_48, %dma_wait3A_49] : memref<1000000x64xf32, #tpu.memory_space<hbm>> -> memref<1000000x64xf32, #tpu.memory_space<hbm>>
    tpu.wait_indirect_dma semaphore(%arg10 : memref<!tpu.dma_semaphore, #tpu.memory_space<semaphore_mem>>) src(%dma_wait3A_50 : memref<1000000x64xf32, #tpu.memory_space<hbm>>) dst(%dma_wait3A_44 : memref<128x64xf32, #tpu.memory_space<vmem>>)
    %dma_wait3A_51 = arith.constant 0 : i32
    %dma_wait3A_52 = arith.constant 128 : i32
    %dma_wait3A_53 = arith.constant 0 : i32
    %dma_wait3A_54 = tpu.memref_slice %arg6[%dma_wait3A_52, %dma_wait3A_53] : memref<200x64xf32, #tpu.memory_space<vmem>> -> memref<72x64xf32, #tpu.memory_space<vmem>>
    %dma_wait3A_55 = arith.constant 128 : i32
    %dma_wait3A_56 = tpu.memref_slice %arg5[%dma_wait3A_51, %dma_wait3A_55] : memref<128x200xi32, #tpu.memory_space<vmem>> -> memref<1x72xi32, #tpu.memory_space<vmem>>
    %dma_wait3A_57 = tpu.memref_squeeze %dma_wait3A_56 : memref<1x72xi32, #tpu.memory_space<vmem>> -> memref<72xi32, #tpu.memory_space<vmem>>
    %dma_wait3A_58 = arith.constant 0 : i32
    %dma_wait3A_59 = arith.constant 0 : i32
    %dma_wait3A_60 = tpu.memref_slice %arg3[%dma_wait3A_58, %dma_wait3A_59] : memref<1000000x64xf32, #tpu.memory_space<hbm>> -> memref<1000000x64xf32, #tpu.memory_space<hbm>>
    tpu.wait_indirect_dma semaphore(%arg10 : memref<!tpu.dma_semaphore, #tpu.memory_space<semaphore_mem>>) src(%dma_wait3A_60 : memref<1000000x64xf32, #tpu.memory_space<hbm>>) dst(%dma_wait3A_54 : memref<72x64xf32, #tpu.memory_space<vmem>>)
    %add3A_61 = arith.constant 0 : i32
    %add3A_62 = arith.addi %mul3A_2, %add3A_61 : i32
    %dma_start3A_63 = arith.constant 0 : i32
    %dma_start3A_64 = arith.constant 0 : i32
    %dma_start3A_65 = tpu.memref_slice %arg4[%add3A_62, %dma_start3A_63, %dma_start3A_64] : memref<4096x200x64xf32, #tpu.memory_space<hbm>> -> memref<1x200x64xf32, #tpu.memory_space<hbm>>
    %dma_start3A_66 = tpu.memref_squeeze %dma_start3A_65 : memref<1x200x64xf32, #tpu.memory_space<hbm>> -> memref<200x64xf32, #tpu.memory_space<hbm>>
    %dma_start3A_67 = arith.constant 0 : i32
    %dma_start3A_68 = arith.constant 0 : i32
    %dma_start3A_69 = tpu.memref_slice %arg4[%add3A_62, %dma_start3A_67, %dma_start3A_68] : memref<4096x200x64xf32, #tpu.memory_space<hbm>> -> memref<1x200x64xf32, #tpu.memory_space<hbm>>
    %dma_start3A_70 = tpu.memref_squeeze %dma_start3A_69 : memref<1x200x64xf32, #tpu.memory_space<hbm>> -> memref<200x64xf32, #tpu.memory_space<hbm>>
    tpu.enqueue_dma source(%arg6 : memref<200x64xf32, #tpu.memory_space<vmem>>) target(%dma_start3A_70 : memref<200x64xf32, #tpu.memory_space<hbm>>) target_semaphore(%arg14 : memref<!tpu.dma_semaphore, #tpu.memory_space<semaphore_mem>>)
    %dma_start3A_71 = arith.constant 2 : i32
    %dma_start3A_72 = arith.constant 0 : i32
    %dma_start3A_73 = arith.constant 0 : i32
    %dma_start3A_74 = tpu.memref_slice %arg8[%dma_start3A_72, %dma_start3A_73] : memref<200x64xf32, #tpu.memory_space<vmem>> -> memref<128x64xf32, #tpu.memory_space<vmem>>
    %dma_start3A_75 = arith.constant 0 : i32
    %dma_start3A_76 = tpu.memref_slice %arg5[%dma_start3A_71, %dma_start3A_75] : memref<128x200xi32, #tpu.memory_space<vmem>> -> memref<1x128xi32, #tpu.memory_space<vmem>>
    %dma_start3A_77 = tpu.memref_squeeze %dma_start3A_76 : memref<1x128xi32, #tpu.memory_space<vmem>> -> memref<128xi32, #tpu.memory_space<vmem>>
    %dma_start3A_78 = arith.constant 0 : i32
    %dma_start3A_79 = arith.constant 0 : i32
    %dma_start3A_80 = tpu.memref_slice %arg3[%dma_start3A_78, %dma_start3A_79] : memref<1000000x64xf32, #tpu.memory_space<hbm>> -> memref<1000000x64xf32, #tpu.memory_space<hbm>>
    tpu.enqueue_indirect_dma source(%dma_start3A_80 : memref<1000000x64xf32, #tpu.memory_space<hbm>>) target(%dma_start3A_74 : memref<128x64xf32, #tpu.memory_space<vmem>>) offsets(%dma_start3A_77 : memref<128xi32, #tpu.memory_space<vmem>>) semaphore(%arg12 : memref<!tpu.dma_semaphore, #tpu.memory_space<semaphore_mem>>)
    %dma_start3A_81 = arith.constant 2 : i32
    %dma_start3A_82 = arith.constant 128 : i32
    %dma_start3A_83 = arith.constant 0 : i32
    %dma_start3A_84 = tpu.memref_slice %arg8[%dma_start3A_82, %dma_start3A_83] : memref<200x64xf32, #tpu.memory_space<vmem>> -> memref<72x64xf32, #tpu.memory_space<vmem>>
    %dma_start3A_85 = arith.constant 128 : i32
    %dma_start3A_86 = tpu.memref_slice %arg5[%dma_start3A_81, %dma_start3A_85] : memref<128x200xi32, #tpu.memory_space<vmem>> -> memref<1x72xi32, #tpu.memory_space<vmem>>
    %dma_start3A_87 = tpu.memref_squeeze %dma_start3A_86 : memref<1x72xi32, #tpu.memory_space<vmem>> -> memref<72xi32, #tpu.memory_space<vmem>>
    %dma_start3A_88 = arith.constant 0 : i32
    %dma_start3A_89 = arith.constant 0 : i32
    %dma_start3A_90 = tpu.memref_slice %arg3[%dma_start3A_88, %dma_start3A_89] : memref<1000000x64xf32, #tpu.memory_space<hbm>> -> memref<1000000x64xf32, #tpu.memory_space<hbm>>
    tpu.enqueue_indirect_dma source(%dma_start3A_90 : memref<1000000x64xf32, #tpu.memory_space<hbm>>) target(%dma_start3A_84 : memref<72x64xf32, #tpu.memory_space<vmem>>) offsets(%dma_start3A_87 : memref<72xi32, #tpu.memory_space<vmem>>) semaphore(%arg12 : memref<!tpu.dma_semaphore, #tpu.memory_space<semaphore_mem>>)
    %dma_wait3A_91 = arith.constant 1 : i32
    %dma_wait3A_92 = arith.constant 0 : i32
    %dma_wait3A_93 = arith.constant 0 : i32
    %dma_wait3A_94 = tpu.memref_slice %arg7[%dma_wait3A_92, %dma_wait3A_93] : memref<200x64xf32, #tpu.memory_space<vmem>> -> memref<128x64xf32, #tpu.memory_space<vmem>>
    %dma_wait3A_95 = arith.constant 0 : i32
    %dma_wait3A_96 = tpu.memref_slice %arg5[%dma_wait3A_91, %dma_wait3A_95] : memref<128x200xi32, #tpu.memory_space<vmem>> -> memref<1x128xi32, #tpu.memory_space<vmem>>
    %dma_wait3A_97 = tpu.memref_squeeze %dma_wait3A_96 : memref<1x128xi32, #tpu.memory_space<vmem>> -> memref<128xi32, #tpu.memory_space<vmem>>
    %dma_wait3A_98 = arith.constant 0 : i32
    %dma_wait3A_99 = arith.constant 0 : i32
    %dma_wait3A_100 = tpu.memref_slice %arg3[%dma_wait3A_98, %dma_wait3A_99] : memref<1000000x64xf32, #tpu.memory_space<hbm>> -> memref<1000000x64xf32, #tpu.memory_space<hbm>>
    tpu.wait_indirect_dma semaphore(%arg11 : memref<!tpu.dma_semaphore, #tpu.memory_space<semaphore_mem>>) src(%dma_wait3A_100 : memref<1000000x64xf32, #tpu.memory_space<hbm>>) dst(%dma_wait3A_94 : memref<128x64xf32, #tpu.memory_space<vmem>>)
    %dma_wait3A_101 = arith.constant 1 : i32
    %dma_wait3A_102 = arith.constant 128 : i32
    %dma_wait3A_103 = arith.constant 0 : i32
    %dma_wait3A_104 = tpu.memref_slice %arg7[%dma_wait3A_102, %dma_wait3A_103] : memref<200x64xf32, #tpu.memory_space<vmem>> -> memref<72x64xf32, #tpu.memory_space<vmem>>
    %dma_wait3A_105 = arith.constant 128 : i32
    %dma_wait3A_106 = tpu.memref_slice %arg5[%dma_wait3A_101, %dma_wait3A_105] : memref<128x200xi32, #tpu.memory_space<vmem>> -> memref<1x72xi32, #tpu.memory_space<vmem>>
    %dma_wait3A_107 = tpu.memref_squeeze %dma_wait3A_106 : memref<1x72xi32, #tpu.memory_space<vmem>> -> memref<72xi32, #tpu.memory_space<vmem>>
    %dma_wait3A_108 = arith.constant 0 : i32
    %dma_wait3A_109 = arith.constant 0 : i32
    %dma_wait3A_110 = tpu.memref_slice %arg3[%dma_wait3A_108, %dma_wait3A_109] : memref<1000000x64xf32, #tpu.memory_space<hbm>> -> memref<1000000x64xf32, #tpu.memory_space<hbm>>
    tpu.wait_indirect_dma semaphore(%arg11 : memref<!tpu.dma_semaphore, #tpu.memory_space<semaphore_mem>>) src(%dma_wait3A_110 : memref<1000000x64xf32, #tpu.memory_space<hbm>>) dst(%dma_wait3A_104 : memref<72x64xf32, #tpu.memory_space<vmem>>)
    %add3A_111 = arith.constant 1 : i32
    %add3A_112 = arith.addi %mul3A_2, %add3A_111 : i32
    %dma_start3A_113 = arith.constant 0 : i32
    %dma_start3A_114 = arith.constant 0 : i32
    %dma_start3A_115 = tpu.memref_slice %arg4[%add3A_112, %dma_start3A_113, %dma_start3A_114] : memref<4096x200x64xf32, #tpu.memory_space<hbm>> -> memref<1x200x64xf32, #tpu.memory_space<hbm>>
    %dma_start3A_116 = tpu.memref_squeeze %dma_start3A_115 : memref<1x200x64xf32, #tpu.memory_space<hbm>> -> memref<200x64xf32, #tpu.memory_space<hbm>>
    %dma_start3A_117 = arith.constant 0 : i32
    %dma_start3A_118 = arith.constant 0 : i32
    %dma_start3A_119 = tpu.memref_slice %arg4[%add3A_112, %dma_start3A_117, %dma_start3A_118] : memref<4096x200x64xf32, #tpu.memory_space<hbm>> -> memref<1x200x64xf32, #tpu.memory_space<hbm>>
    %dma_start3A_120 = tpu.memref_squeeze %dma_start3A_119 : memref<1x200x64xf32, #tpu.memory_space<hbm>> -> memref<200x64xf32, #tpu.memory_space<hbm>>
    tpu.enqueue_dma source(%arg7 : memref<200x64xf32, #tpu.memory_space<vmem>>) target(%dma_start3A_120 : memref<200x64xf32, #tpu.memory_space<hbm>>) target_semaphore(%arg15 : memref<!tpu.dma_semaphore, #tpu.memory_space<semaphore_mem>>)
    %dma_start3A_121 = arith.constant 3 : i32
    %dma_start3A_122 = arith.constant 0 : i32
    %dma_start3A_123 = arith.constant 0 : i32
    %dma_start3A_124 = tpu.memref_slice %arg9[%dma_start3A_122, %dma_start3A_123] : memref<200x64xf32, #tpu.memory_space<vmem>> -> memref<128x64xf32, #tpu.memory_space<vmem>>
    %dma_start3A_125 = arith.constant 0 : i32
    %dma_start3A_126 = tpu.memref_slice %arg5[%dma_start3A_121, %dma_start3A_125] : memref<128x200xi32, #tpu.memory_space<vmem>> -> memref<1x128xi32, #tpu.memory_space<vmem>>
    %dma_start3A_127 = tpu.memref_squeeze %dma_start3A_126 : memref<1x128xi32, #tpu.memory_space<vmem>> -> memref<128xi32, #tpu.memory_space<vmem>>
    %dma_start3A_128 = arith.constant 0 : i32
    %dma_start3A_129 = arith.constant 0 : i32
    %dma_start3A_130 = tpu.memref_slice %arg3[%dma_start3A_128, %dma_start3A_129] : memref<1000000x64xf32, #tpu.memory_space<hbm>> -> memref<1000000x64xf32, #tpu.memory_space<hbm>>
    tpu.enqueue_indirect_dma source(%dma_start3A_130 : memref<1000000x64xf32, #tpu.memory_space<hbm>>) target(%dma_start3A_124 : memref<128x64xf32, #tpu.memory_space<vmem>>) offsets(%dma_start3A_127 : memref<128xi32, #tpu.memory_space<vmem>>) semaphore(%arg13 : memref<!tpu.dma_semaphore, #tpu.memory_space<semaphore_mem>>)
    %dma_start3A_131 = arith.constant 3 : i32
    %dma_start3A_132 = arith.constant 128 : i32
    %dma_start3A_133 = arith.constant 0 : i32
    %dma_start3A_134 = tpu.memref_slice %arg9[%dma_start3A_132, %dma_start3A_133] : memref<200x64xf32, #tpu.memory_space<vmem>> -> memref<72x64xf32, #tpu.memory_space<vmem>>
    %dma_start3A_135 = arith.constant 128 : i32
    %dma_start3A_136 = tpu.memref_slice %arg5[%dma_start3A_131, %dma_start3A_135] : memref<128x200xi32, #tpu.memory_space<vmem>> -> memref<1x72xi32, #tpu.memory_space<vmem>>
    %dma_start3A_137 = tpu.memref_squeeze %dma_start3A_136 : memref<1x72xi32, #tpu.memory_space<vmem>> -> memref<72xi32, #tpu.memory_space<vmem>>
    %dma_start3A_138 = arith.constant 0 : i32
    %dma_start3A_139 = arith.constant 0 : i32
    %dma_start3A_140 = tpu.memref_slice %arg3[%dma_start3A_138, %dma_start3A_139] : memref<1000000x64xf32, #tpu.memory_space<hbm>> -> memref<1000000x64xf32, #tpu.memory_space<hbm>>
    tpu.enqueue_indirect_dma source(%dma_start3A_140 : memref<1000000x64xf32, #tpu.memory_space<hbm>>) target(%dma_start3A_134 : memref<72x64xf32, #tpu.memory_space<vmem>>) offsets(%dma_start3A_137 : memref<72xi32, #tpu.memory_space<vmem>>) semaphore(%arg13 : memref<!tpu.dma_semaphore, #tpu.memory_space<semaphore_mem>>)
    %dma_wait3A_141 = arith.constant 2 : i32
    %dma_wait3A_142 = arith.constant 0 : i32
    %dma_wait3A_143 = arith.constant 0 : i32
    %dma_wait3A_144 = tpu.memref_slice %arg8[%dma_wait3A_142, %dma_wait3A_143] : memref<200x64xf32, #tpu.memory_space<vmem>> -> memref<128x64xf32, #tpu.memory_space<vmem>>
    %dma_wait3A_145 = arith.constant 0 : i32
    %dma_wait3A_146 = tpu.memref_slice %arg5[%dma_wait3A_141, %dma_wait3A_145] : memref<128x200xi32, #tpu.memory_space<vmem>> -> memref<1x128xi32, #tpu.memory_space<vmem>>
    %dma_wait3A_147 = tpu.memref_squeeze %dma_wait3A_146 : memref<1x128xi32, #tpu.memory_space<vmem>> -> memref<128xi32, #tpu.memory_space<vmem>>
    %dma_wait3A_148 = arith.constant 0 : i32
    %dma_wait3A_149 = arith.constant 0 : i32
    %dma_wait3A_150 = tpu.memref_slice %arg3[%dma_wait3A_148, %dma_wait3A_149] : memref<1000000x64xf32, #tpu.memory_space<hbm>> -> memref<1000000x64xf32, #tpu.memory_space<hbm>>
    tpu.wait_indirect_dma semaphore(%arg12 : memref<!tpu.dma_semaphore, #tpu.memory_space<semaphore_mem>>) src(%dma_wait3A_150 : memref<1000000x64xf32, #tpu.memory_space<hbm>>) dst(%dma_wait3A_144 : memref<128x64xf32, #tpu.memory_space<vmem>>)
    %dma_wait3A_151 = arith.constant 2 : i32
    %dma_wait3A_152 = arith.constant 128 : i32
    %dma_wait3A_153 = arith.constant 0 : i32
    %dma_wait3A_154 = tpu.memref_slice %arg8[%dma_wait3A_152, %dma_wait3A_153] : memref<200x64xf32, #tpu.memory_space<vmem>> -> memref<72x64xf32, #tpu.memory_space<vmem>>
    %dma_wait3A_155 = arith.constant 128 : i32
    %dma_wait3A_156 = tpu.memref_slice %arg5[%dma_wait3A_151, %dma_wait3A_155] : memref<128x200xi32, #tpu.memory_space<vmem>> -> memref<1x72xi32, #tpu.memory_space<vmem>>
    %dma_wait3A_157 = tpu.memref_squeeze %dma_wait3A_156 : memref<1x72xi32, #tpu.memory_space<vmem>> -> memref<72xi32, #tpu.memory_space<vmem>>
    %dma_wait3A_158 = arith.constant 0 : i32
    %dma_wait3A_159 = arith.constant 0 : i32
    %dma_wait3A_160 = tpu.memref_slice %arg3[%dma_wait3A_158, %dma_wait3A_159] : memref<1000000x64xf32, #tpu.memory_space<hbm>> -> memref<1000000x64xf32, #tpu.memory_space<hbm>>
    tpu.wait_indirect_dma semaphore(%arg12 : memref<!tpu.dma_semaphore, #tpu.memory_space<semaphore_mem>>) src(%dma_wait3A_160 : memref<1000000x64xf32, #tpu.memory_space<hbm>>) dst(%dma_wait3A_154 : memref<72x64xf32, #tpu.memory_space<vmem>>)
    %add3A_161 = arith.constant 2 : i32
    %add3A_162 = arith.addi %mul3A_2, %add3A_161 : i32
    %dma_start3A_163 = arith.constant 0 : i32
    %dma_start3A_164 = arith.constant 0 : i32
    %dma_start3A_165 = tpu.memref_slice %arg4[%add3A_162, %dma_start3A_163, %dma_start3A_164] : memref<4096x200x64xf32, #tpu.memory_space<hbm>> -> memref<1x200x64xf32, #tpu.memory_space<hbm>>
    %dma_start3A_166 = tpu.memref_squeeze %dma_start3A_165 : memref<1x200x64xf32, #tpu.memory_space<hbm>> -> memref<200x64xf32, #tpu.memory_space<hbm>>
    %dma_start3A_167 = arith.constant 0 : i32
    %dma_start3A_168 = arith.constant 0 : i32
    %dma_start3A_169 = tpu.memref_slice %arg4[%add3A_162, %dma_start3A_167, %dma_start3A_168] : memref<4096x200x64xf32, #tpu.memory_space<hbm>> -> memref<1x200x64xf32, #tpu.memory_space<hbm>>
    %dma_start3A_170 = tpu.memref_squeeze %dma_start3A_169 : memref<1x200x64xf32, #tpu.memory_space<hbm>> -> memref<200x64xf32, #tpu.memory_space<hbm>>
    tpu.enqueue_dma source(%arg8 : memref<200x64xf32, #tpu.memory_space<vmem>>) target(%dma_start3A_170 : memref<200x64xf32, #tpu.memory_space<hbm>>) target_semaphore(%arg16 : memref<!tpu.dma_semaphore, #tpu.memory_space<semaphore_mem>>)
    %add3A_171 = arith.constant 0 : i32
    %add3A_172 = arith.addi %mul3A_2, %add3A_171 : i32
    %dma_wait3A_173 = arith.constant 0 : i32
    %dma_wait3A_174 = arith.constant 0 : i32
    %dma_wait3A_175 = tpu.memref_slice %arg4[%add3A_172, %dma_wait3A_173, %dma_wait3A_174] : memref<4096x200x64xf32, #tpu.memory_space<hbm>> -> memref<1x200x64xf32, #tpu.memory_space<hbm>>
    %dma_wait3A_176 = tpu.memref_squeeze %dma_wait3A_175 : memref<1x200x64xf32, #tpu.memory_space<hbm>> -> memref<200x64xf32, #tpu.memory_space<hbm>>
    %dma_wait3A_177 = arith.constant 0 : i32
    %dma_wait3A_178 = arith.constant 0 : i32
    %dma_wait3A_179 = tpu.memref_slice %arg4[%add3A_172, %dma_wait3A_177, %dma_wait3A_178] : memref<4096x200x64xf32, #tpu.memory_space<hbm>> -> memref<1x200x64xf32, #tpu.memory_space<hbm>>
    %dma_wait3A_180 = tpu.memref_squeeze %dma_wait3A_179 : memref<1x200x64xf32, #tpu.memory_space<hbm>> -> memref<200x64xf32, #tpu.memory_space<hbm>>
    tpu.wait_dma2 semaphore(%arg14 : memref<!tpu.dma_semaphore, #tpu.memory_space<semaphore_mem>>) src(%arg6 : memref<200x64xf32, #tpu.memory_space<vmem>>) dst(%dma_wait3A_180 : memref<200x64xf32, #tpu.memory_space<hbm>>)
    %dma_start3A_181 = arith.constant 4 : i32
    %dma_start3A_182 = arith.constant 0 : i32
    %dma_start3A_183 = arith.constant 0 : i32
    %dma_start3A_184 = tpu.memref_slice %arg6[%dma_start3A_182, %dma_start3A_183] : memref<200x64xf32, #tpu.memory_space<vmem>> -> memref<128x64xf32, #tpu.memory_space<vmem>>
    %dma_start3A_185 = arith.constant 0 : i32
    %dma_start3A_186 = tpu.memref_slice %arg5[%dma_start3A_181, %dma_start3A_185] : memref<128x200xi32, #tpu.memory_space<vmem>> -> memref<1x128xi32, #tpu.memory_space<vmem>>
    %dma_start3A_187 = tpu.memref_squeeze %dma_start3A_186 : memref<1x128xi32, #tpu.memory_space<vmem>> -> memref<128xi32, #tpu.memory_space<vmem>>
    %dma_start3A_188 = arith.constant 0 : i32
    %dma_start3A_189 = arith.constant 0 : i32
    %dma_start3A_190 = tpu.memref_slice %arg3[%dma_start3A_188, %dma_start3A_189] : memref<1000000x64xf32, #tpu.memory_space<hbm>> -> memref<1000000x64xf32, #tpu.memory_space<hbm>>
    tpu.enqueue_indirect_dma source(%dma_start3A_190 : memref<1000000x64xf32, #tpu.memory_space<hbm>>) target(%dma_start3A_184 : memref<128x64xf32, #tpu.memory_space<vmem>>) offsets(%dma_start3A_187 : memref<128xi32, #tpu.memory_space<vmem>>) semaphore(%arg10 : memref<!tpu.dma_semaphore, #tpu.memory_space<semaphore_mem>>)
    %dma_start3A_191 = arith.constant 4 : i32
    %dma_start3A_192 = arith.constant 128 : i32
    %dma_start3A_193 = arith.constant 0 : i32
    %dma_start3A_194 = tpu.memref_slice %arg6[%dma_start3A_192, %dma_start3A_193] : memref<200x64xf32, #tpu.memory_space<vmem>> -> memref<72x64xf32, #tpu.memory_space<vmem>>
    %dma_start3A_195 = arith.constant 128 : i32
    %dma_start3A_196 = tpu.memref_slice %arg5[%dma_start3A_191, %dma_start3A_195] : memref<128x200xi32, #tpu.memory_space<vmem>> -> memref<1x72xi32, #tpu.memory_space<vmem>>
    %dma_start3A_197 = tpu.memref_squeeze %dma_start3A_196 : memref<1x72xi32, #tpu.memory_space<vmem>> -> memref<72xi32, #tpu.memory_space<vmem>>
    %dma_start3A_198 = arith.constant 0 : i32
    %dma_start3A_199 = arith.constant 0 : i32
    %dma_start3A_200 = tpu.memref_slice %arg3[%dma_start3A_198, %dma_start3A_199] : memref<1000000x64xf32, #tpu.memory_space<hbm>> -> memref<1000000x64xf32, #tpu.memory_space<hbm>>
    tpu.enqueue_indirect_dma source(%dma_start3A_200 : memref<1000000x64xf32, #tpu.memory_space<hbm>>) target(%dma_start3A_194 : memref<72x64xf32, #tpu.memory_space<vmem>>) offsets(%dma_start3A_197 : memref<72xi32, #tpu.memory_space<vmem>>) semaphore(%arg10 : memref<!tpu.dma_semaphore, #tpu.memory_space<semaphore_mem>>)
    %dma_wait3A_201 = arith.constant 3 : i32
    %dma_wait3A_202 = arith.constant 0 : i32
    %dma_wait3A_203 = arith.constant 0 : i32
    %dma_wait3A_204 = tpu.memref_slice %arg9[%dma_wait3A_202, %dma_wait3A_203] : memref<200x64xf32, #tpu.memory_space<vmem>> -> memref<128x64xf32, #tpu.memory_space<vmem>>
    %dma_wait3A_205 = arith.constant 0 : i32
    %dma_wait3A_206 = tpu.memref_slice %arg5[%dma_wait3A_201, %dma_wait3A_205] : memref<128x200xi32, #tpu.memory_space<vmem>> -> memref<1x128xi32, #tpu.memory_space<vmem>>
    %dma_wait3A_207 = tpu.memref_squeeze %dma_wait3A_206 : memref<1x128xi32, #tpu.memory_space<vmem>> -> memref<128xi32, #tpu.memory_space<vmem>>
    %dma_wait3A_208 = arith.constant 0 : i32
    %dma_wait3A_209 = arith.constant 0 : i32
    %dma_wait3A_210 = tpu.memref_slice %arg3[%dma_wait3A_208, %dma_wait3A_209] : memref<1000000x64xf32, #tpu.memory_space<hbm>> -> memref<1000000x64xf32, #tpu.memory_space<hbm>>
    tpu.wait_indirect_dma semaphore(%arg13 : memref<!tpu.dma_semaphore, #tpu.memory_space<semaphore_mem>>) src(%dma_wait3A_210 : memref<1000000x64xf32, #tpu.memory_space<hbm>>) dst(%dma_wait3A_204 : memref<128x64xf32, #tpu.memory_space<vmem>>)
    %dma_wait3A_211 = arith.constant 3 : i32
    %dma_wait3A_212 = arith.constant 128 : i32
    %dma_wait3A_213 = arith.constant 0 : i32
    %dma_wait3A_214 = tpu.memref_slice %arg9[%dma_wait3A_212, %dma_wait3A_213] : memref<200x64xf32, #tpu.memory_space<vmem>> -> memref<72x64xf32, #tpu.memory_space<vmem>>
    %dma_wait3A_215 = arith.constant 128 : i32
    %dma_wait3A_216 = tpu.memref_slice %arg5[%dma_wait3A_211, %dma_wait3A_215] : memref<128x200xi32, #tpu.memory_space<vmem>> -> memref<1x72xi32, #tpu.memory_space<vmem>>
    %dma_wait3A_217 = tpu.memref_squeeze %dma_wait3A_216 : memref<1x72xi32, #tpu.memory_space<vmem>> -> memref<72xi32, #tpu.memory_space<vmem>>
    %dma_wait3A_218 = arith.constant 0 : i32
    %dma_wait3A_219 = arith.constant 0 : i32
    %dma_wait3A_220 = tpu.memref_slice %arg3[%dma_wait3A_218, %dma_wait3A_219] : memref<1000000x64xf32, #tpu.memory_space<hbm>> -> memref<1000000x64xf32, #tpu.memory_space<hbm>>
    tpu.wait_indirect_dma semaphore(%arg13 : memref<!tpu.dma_semaphore, #tpu.memory_space<semaphore_mem>>) src(%dma_wait3A_220 : memref<1000000x64xf32, #tpu.memory_space<hbm>>) dst(%dma_wait3A_214 : memref<72x64xf32, #tpu.memory_space<vmem>>)
    %add3A_221 = arith.constant 3 : i32
    %add3A_222 = arith.addi %mul3A_2, %add3A_221 : i32
    %dma_start3A_223 = arith.constant 0 : i32
    %dma_start3A_224 = arith.constant 0 : i32
    %dma_start3A_225 = tpu.memref_slice %arg4[%add3A_222, %dma_start3A_223, %dma_start3A_224] : memref<4096x200x64xf32, #tpu.memory_space<hbm>> -> memref<1x200x64xf32, #tpu.memory_space<hbm>>
    %dma_start3A_226 = tpu.memref_squeeze %dma_start3A_225 : memref<1x200x64xf32, #tpu.memory_space<hbm>> -> memref<200x64xf32, #tpu.memory_space<hbm>>
    %dma_start3A_227 = arith.constant 0 : i32
    %dma_start3A_228 = arith.constant 0 : i32
    %dma_start3A_229 = tpu.memref_slice %arg4[%add3A_222, %dma_start3A_227, %dma_start3A_228] : memref<4096x200x64xf32, #tpu.memory_space<hbm>> -> memref<1x200x64xf32, #tpu.memory_space<hbm>>
    %dma_start3A_230 = tpu.memref_squeeze %dma_start3A_229 : memref<1x200x64xf32, #tpu.memory_space<hbm>> -> memref<200x64xf32, #tpu.memory_space<hbm>>
    tpu.enqueue_dma source(%arg9 : memref<200x64xf32, #tpu.memory_space<vmem>>) target(%dma_start3A_230 : memref<200x64xf32, #tpu.memory_space<hbm>>) target_semaphore(%arg17 : memref<!tpu.dma_semaphore, #tpu.memory_space<semaphore_mem>>)
    %add3A_231 = arith.constant 1 : i32
    %add3A_232 = arith.addi %mul3A_2, %add3A_231 : i32
    %dma_wait3A_233 = arith.constant 0 : i32
    %dma_wait3A_234 = arith.constant 0 : i32
    %dma_wait3A_235 = tpu.memref_slice %arg4[%add3A_232, %dma_wait3A_233, %dma_wait3A_234] : memref<4096x200x64xf32, #tpu.memory_space<hbm>> -> memref<1x200x64xf32, #tpu.memory_space<hbm>>
    %dma_wait3A_236 = tpu.memref_squeeze %dma_wait3A_235 : memref<1x200x64xf32, #tpu.memory_space<hbm>> -> memref<200x64xf32, #tpu.memory_space<hbm>>
    %dma_wait3A_237 = arith.constant 0 : i32
    %dma_wait3A_238 = arith.constant 0 : i32
    %dma_wait3A_239 = tpu.memref_slice %arg4[%add3A_232, %dma_wait3A_237, %dma_wait3A_238] : memref<4096x200x64xf32, #tpu.memory_space<hbm>> -> memref<1x200x64xf32, #tpu.memory_space<hbm>>
    %dma_wait3A_240 = tpu.memref_squeeze %dma_wait3A_239 : memref<1x200x64xf32, #tpu.memory_space<hbm>> -> memref<200x64xf32, #tpu.memory_space<hbm>>
    tpu.wait_dma2 semaphore(%arg15 : memref<!tpu.dma_semaphore, #tpu.memory_space<semaphore_mem>>) src(%arg7 : memref<200x64xf32, #tpu.memory_space<vmem>>) dst(%dma_wait3A_240 : memref<200x64xf32, #tpu.memory_space<hbm>>)
    %dma_start3A_241 = arith.constant 5 : i32
    %dma_start3A_242 = arith.constant 0 : i32
    %dma_start3A_243 = arith.constant 0 : i32
    %dma_start3A_244 = tpu.memref_slice %arg7[%dma_start3A_242, %dma_start3A_243] : memref<200x64xf32, #tpu.memory_space<vmem>> -> memref<128x64xf32, #tpu.memory_space<vmem>>
    %dma_start3A_245 = arith.constant 0 : i32
    %dma_start3A_246 = tpu.memref_slice %arg5[%dma_start3A_241, %dma_start3A_245] : memref<128x200xi32, #tpu.memory_space<vmem>> -> memref<1x128xi32, #tpu.memory_space<vmem>>
    %dma_start3A_247 = tpu.memref_squeeze %dma_start3A_246 : memref<1x128xi32, #tpu.memory_space<vmem>> -> memref<128xi32, #tpu.memory_space<vmem>>
    %dma_start3A_248 = arith.constant 0 : i32
    %dma_start3A_249 = arith.constant 0 : i32
    %dma_start3A_250 = tpu.memref_slice %arg3[%dma_start3A_248, %dma_start3A_249] : memref<1000000x64xf32, #tpu.memory_space<hbm>> -> memref<1000000x64xf32, #tpu.memory_space<hbm>>
    tpu.enqueue_indirect_dma source(%dma_start3A_250 : memref<1000000x64xf32, #tpu.memory_space<hbm>>) target(%dma_start3A_244 : memref<128x64xf32, #tpu.memory_space<vmem>>) offsets(%dma_start3A_247 : memref<128xi32, #tpu.memory_space<vmem>>) semaphore(%arg11 : memref<!tpu.dma_semaphore, #tpu.memory_space<semaphore_mem>>)
    %dma_start3A_251 = arith.constant 5 : i32
    %dma_start3A_252 = arith.constant 128 : i32
    %dma_start3A_253 = arith.constant 0 : i32
    %dma_start3A_254 = tpu.memref_slice %arg7[%dma_start3A_252, %dma_start3A_253] : memref<200x64xf32, #tpu.memory_space<vmem>> -> memref<72x64xf32, #tpu.memory_space<vmem>>
    %dma_start3A_255 = arith.constant 128 : i32
    %dma_start3A_256 = tpu.memref_slice %arg5[%dma_start3A_251, %dma_start3A_255] : memref<128x200xi32, #tpu.memory_space<vmem>> -> memref<1x72xi32, #tpu.memory_space<vmem>>
    %dma_start3A_257 = tpu.memref_squeeze %dma_start3A_256 : memref<1x72xi32, #tpu.memory_space<vmem>> -> memref<72xi32, #tpu.memory_space<vmem>>
    %dma_start3A_258 = arith.constant 0 : i32
    %dma_start3A_259 = arith.constant 0 : i32
    %dma_start3A_260 = tpu.memref_slice %arg3[%dma_start3A_258, %dma_start3A_259] : memref<1000000x64xf32, #tpu.memory_space<hbm>> -> memref<1000000x64xf32, #tpu.memory_space<hbm>>
    tpu.enqueue_indirect_dma source(%dma_start3A_260 : memref<1000000x64xf32, #tpu.memory_space<hbm>>) target(%dma_start3A_254 : memref<72x64xf32, #tpu.memory_space<vmem>>) offsets(%dma_start3A_257 : memref<72xi32, #tpu.memory_space<vmem>>) semaphore(%arg11 : memref<!tpu.dma_semaphore, #tpu.memory_space<semaphore_mem>>)
    %scan3A = arith.constant 0 : i32
    %scan3A_261 = arith.constant 1 : i32
    %scan3A_262 = arith.constant 30 : i32
    %scan3A_263 = arith.addi %scan3A_261, %scan3A_262 : i32
    %scan3A_264 = arith.constant 1 : i32
    scf.for %scan3A_486 = %scan3A_261 to %scan3A_263 step %scan3A_264  : i32 {
      %mul3A_487 = arith.constant 4 : i32
      %mul3A_488 = arith.muli %scan3A_486, %mul3A_487 : i32
      %add3A_489 = arith.constant 0 : i32
      %add3A_490 = arith.addi %mul3A_488, %add3A_489 : i32
      %dma_wait3A_491 = arith.constant 0 : i32
      %dma_wait3A_492 = arith.constant 0 : i32
      %dma_wait3A_493 = tpu.memref_slice %arg6[%dma_wait3A_491, %dma_wait3A_492] : memref<200x64xf32, #tpu.memory_space<vmem>> -> memref<128x64xf32, #tpu.memory_space<vmem>>
      %dma_wait3A_494 = arith.constant 0 : i32
      %dma_wait3A_495 = tpu.memref_slice %arg5[%add3A_490, %dma_wait3A_494] : memref<128x200xi32, #tpu.memory_space<vmem>> -> memref<1x128xi32, #tpu.memory_space<vmem>>
      %dma_wait3A_496 = tpu.memref_squeeze %dma_wait3A_495 : memref<1x128xi32, #tpu.memory_space<vmem>> -> memref<128xi32, #tpu.memory_space<vmem>>
      %dma_wait3A_497 = arith.constant 0 : i32
      %dma_wait3A_498 = arith.constant 0 : i32
      %dma_wait3A_499 = tpu.memref_slice %arg3[%dma_wait3A_497, %dma_wait3A_498] : memref<1000000x64xf32, #tpu.memory_space<hbm>> -> memref<1000000x64xf32, #tpu.memory_space<hbm>>
      tpu.wait_indirect_dma semaphore(%arg10 : memref<!tpu.dma_semaphore, #tpu.memory_space<semaphore_mem>>) src(%dma_wait3A_499 : memref<1000000x64xf32, #tpu.memory_space<hbm>>) dst(%dma_wait3A_493 : memref<128x64xf32, #tpu.memory_space<vmem>>)
      %dma_wait3A_500 = arith.constant 128 : i32
      %dma_wait3A_501 = arith.constant 0 : i32
      %dma_wait3A_502 = tpu.memref_slice %arg6[%dma_wait3A_500, %dma_wait3A_501] : memref<200x64xf32, #tpu.memory_space<vmem>> -> memref<72x64xf32, #tpu.memory_space<vmem>>
      %dma_wait3A_503 = arith.constant 128 : i32
      %dma_wait3A_504 = tpu.memref_slice %arg5[%add3A_490, %dma_wait3A_503] : memref<128x200xi32, #tpu.memory_space<vmem>> -> memref<1x72xi32, #tpu.memory_space<vmem>>
      %dma_wait3A_505 = tpu.memref_squeeze %dma_wait3A_504 : memref<1x72xi32, #tpu.memory_space<vmem>> -> memref<72xi32, #tpu.memory_space<vmem>>
      %dma_wait3A_506 = arith.constant 0 : i32
      %dma_wait3A_507 = arith.constant 0 : i32
      %dma_wait3A_508 = tpu.memref_slice %arg3[%dma_wait3A_506, %dma_wait3A_507] : memref<1000000x64xf32, #tpu.memory_space<hbm>> -> memref<1000000x64xf32, #tpu.memory_space<hbm>>
      tpu.wait_indirect_dma semaphore(%arg10 : memref<!tpu.dma_semaphore, #tpu.memory_space<semaphore_mem>>) src(%dma_wait3A_508 : memref<1000000x64xf32, #tpu.memory_space<hbm>>) dst(%dma_wait3A_502 : memref<72x64xf32, #tpu.memory_space<vmem>>)
      %add3A_509 = arith.addi %mul3A_2, %add3A_490 : i32
      %dma_start3A_510 = arith.constant 0 : i32
      %dma_start3A_511 = arith.constant 0 : i32
      %dma_start3A_512 = tpu.memref_slice %arg4[%add3A_509, %dma_start3A_510, %dma_start3A_511] : memref<4096x200x64xf32, #tpu.memory_space<hbm>> -> memref<1x200x64xf32, #tpu.memory_space<hbm>>
      %dma_start3A_513 = tpu.memref_squeeze %dma_start3A_512 : memref<1x200x64xf32, #tpu.memory_space<hbm>> -> memref<200x64xf32, #tpu.memory_space<hbm>>
      %dma_start3A_514 = arith.constant 0 : i32
      %dma_start3A_515 = arith.constant 0 : i32
      %dma_start3A_516 = tpu.memref_slice %arg4[%add3A_509, %dma_start3A_514, %dma_start3A_515] : memref<4096x200x64xf32, #tpu.memory_space<hbm>> -> memref<1x200x64xf32, #tpu.memory_space<hbm>>
      %dma_start3A_517 = tpu.memref_squeeze %dma_start3A_516 : memref<1x200x64xf32, #tpu.memory_space<hbm>> -> memref<200x64xf32, #tpu.memory_space<hbm>>
      tpu.enqueue_dma source(%arg6 : memref<200x64xf32, #tpu.memory_space<vmem>>) target(%dma_start3A_517 : memref<200x64xf32, #tpu.memory_space<hbm>>) target_semaphore(%arg14 : memref<!tpu.dma_semaphore, #tpu.memory_space<semaphore_mem>>)
      %sub3A = arith.constant 2 : i32
      %sub3A_518 = arith.subi %add3A_490, %sub3A : i32
      %add3A_519 = arith.addi %mul3A_2, %sub3A_518 : i32
      %dma_wait3A_520 = arith.constant 0 : i32
      %dma_wait3A_521 = arith.constant 0 : i32
      %dma_wait3A_522 = tpu.memref_slice %arg4[%add3A_519, %dma_wait3A_520, %dma_wait3A_521] : memref<4096x200x64xf32, #tpu.memory_space<hbm>> -> memref<1x200x64xf32, #tpu.memory_space<hbm>>
      %dma_wait3A_523 = tpu.memref_squeeze %dma_wait3A_522 : memref<1x200x64xf32, #tpu.memory_space<hbm>> -> memref<200x64xf32, #tpu.memory_space<hbm>>
      %dma_wait3A_524 = arith.constant 0 : i32
      %dma_wait3A_525 = arith.constant 0 : i32
      %dma_wait3A_526 = tpu.memref_slice %arg4[%add3A_519, %dma_wait3A_524, %dma_wait3A_525] : memref<4096x200x64xf32, #tpu.memory_space<hbm>> -> memref<1x200x64xf32, #tpu.memory_space<hbm>>
      %dma_wait3A_527 = tpu.memref_squeeze %dma_wait3A_526 : memref<1x200x64xf32, #tpu.memory_space<hbm>> -> memref<200x64xf32, #tpu.memory_space<hbm>>
      tpu.wait_dma2 semaphore(%arg16 : memref<!tpu.dma_semaphore, #tpu.memory_space<semaphore_mem>>) src(%arg8 : memref<200x64xf32, #tpu.memory_space<vmem>>) dst(%dma_wait3A_527 : memref<200x64xf32, #tpu.memory_space<hbm>>)
      %add3A_528 = arith.constant 2 : i32
      %add3A_529 = arith.addi %add3A_490, %add3A_528 : i32
      %dma_start3A_530 = arith.constant 0 : i32
      %dma_start3A_531 = arith.constant 0 : i32
      %dma_start3A_532 = tpu.memref_slice %arg8[%dma_start3A_530, %dma_start3A_531] : memref<200x64xf32, #tpu.memory_space<vmem>> -> memref<128x64xf32, #tpu.memory_space<vmem>>
      %dma_start3A_533 = arith.constant 0 : i32
      %dma_start3A_534 = tpu.memref_slice %arg5[%add3A_529, %dma_start3A_533] : memref<128x200xi32, #tpu.memory_space<vmem>> -> memref<1x128xi32, #tpu.memory_space<vmem>>
      %dma_start3A_535 = tpu.memref_squeeze %dma_start3A_534 : memref<1x128xi32, #tpu.memory_space<vmem>> -> memref<128xi32, #tpu.memory_space<vmem>>
      %dma_start3A_536 = arith.constant 0 : i32
      %dma_start3A_537 = arith.constant 0 : i32
      %dma_start3A_538 = tpu.memref_slice %arg3[%dma_start3A_536, %dma_start3A_537] : memref<1000000x64xf32, #tpu.memory_space<hbm>> -> memref<1000000x64xf32, #tpu.memory_space<hbm>>
      tpu.enqueue_indirect_dma source(%dma_start3A_538 : memref<1000000x64xf32, #tpu.memory_space<hbm>>) target(%dma_start3A_532 : memref<128x64xf32, #tpu.memory_space<vmem>>) offsets(%dma_start3A_535 : memref<128xi32, #tpu.memory_space<vmem>>) semaphore(%arg12 : memref<!tpu.dma_semaphore, #tpu.memory_space<semaphore_mem>>)
      %dma_start3A_539 = arith.constant 128 : i32
      %dma_start3A_540 = arith.constant 0 : i32
      %dma_start3A_541 = tpu.memref_slice %arg8[%dma_start3A_539, %dma_start3A_540] : memref<200x64xf32, #tpu.memory_space<vmem>> -> memref<72x64xf32, #tpu.memory_space<vmem>>
      %dma_start3A_542 = arith.constant 128 : i32
      %dma_start3A_543 = tpu.memref_slice %arg5[%add3A_529, %dma_start3A_542] : memref<128x200xi32, #tpu.memory_space<vmem>> -> memref<1x72xi32, #tpu.memory_space<vmem>>
      %dma_start3A_544 = tpu.memref_squeeze %dma_start3A_543 : memref<1x72xi32, #tpu.memory_space<vmem>> -> memref<72xi32, #tpu.memory_space<vmem>>
      %dma_start3A_545 = arith.constant 0 : i32
      %dma_start3A_546 = arith.constant 0 : i32
      %dma_start3A_547 = tpu.memref_slice %arg3[%dma_start3A_545, %dma_start3A_546] : memref<1000000x64xf32, #tpu.memory_space<hbm>> -> memref<1000000x64xf32, #tpu.memory_space<hbm>>
      tpu.enqueue_indirect_dma source(%dma_start3A_547 : memref<1000000x64xf32, #tpu.memory_space<hbm>>) target(%dma_start3A_541 : memref<72x64xf32, #tpu.memory_space<vmem>>) offsets(%dma_start3A_544 : memref<72xi32, #tpu.memory_space<vmem>>) semaphore(%arg12 : memref<!tpu.dma_semaphore, #tpu.memory_space<semaphore_mem>>)
      %add3A_548 = arith.constant 1 : i32
      %add3A_549 = arith.addi %mul3A_488, %add3A_548 : i32
      %dma_wait3A_550 = arith.constant 0 : i32
      %dma_wait3A_551 = arith.constant 0 : i32
      %dma_wait3A_552 = tpu.memref_slice %arg7[%dma_wait3A_550, %dma_wait3A_551] : memref<200x64xf32, #tpu.memory_space<vmem>> -> memref<128x64xf32, #tpu.memory_space<vmem>>
      %dma_wait3A_553 = arith.constant 0 : i32
      %dma_wait3A_554 = tpu.memref_slice %arg5[%add3A_549, %dma_wait3A_553] : memref<128x200xi32, #tpu.memory_space<vmem>> -> memref<1x128xi32, #tpu.memory_space<vmem>>
      %dma_wait3A_555 = tpu.memref_squeeze %dma_wait3A_554 : memref<1x128xi32, #tpu.memory_space<vmem>> -> memref<128xi32, #tpu.memory_space<vmem>>
      %dma_wait3A_556 = arith.constant 0 : i32
      %dma_wait3A_557 = arith.constant 0 : i32
      %dma_wait3A_558 = tpu.memref_slice %arg3[%dma_wait3A_556, %dma_wait3A_557] : memref<1000000x64xf32, #tpu.memory_space<hbm>> -> memref<1000000x64xf32, #tpu.memory_space<hbm>>
      tpu.wait_indirect_dma semaphore(%arg11 : memref<!tpu.dma_semaphore, #tpu.memory_space<semaphore_mem>>) src(%dma_wait3A_558 : memref<1000000x64xf32, #tpu.memory_space<hbm>>) dst(%dma_wait3A_552 : memref<128x64xf32, #tpu.memory_space<vmem>>)
      %dma_wait3A_559 = arith.constant 128 : i32
      %dma_wait3A_560 = arith.constant 0 : i32
      %dma_wait3A_561 = tpu.memref_slice %arg7[%dma_wait3A_559, %dma_wait3A_560] : memref<200x64xf32, #tpu.memory_space<vmem>> -> memref<72x64xf32, #tpu.memory_space<vmem>>
      %dma_wait3A_562 = arith.constant 128 : i32
      %dma_wait3A_563 = tpu.memref_slice %arg5[%add3A_549, %dma_wait3A_562] : memref<128x200xi32, #tpu.memory_space<vmem>> -> memref<1x72xi32, #tpu.memory_space<vmem>>
      %dma_wait3A_564 = tpu.memref_squeeze %dma_wait3A_563 : memref<1x72xi32, #tpu.memory_space<vmem>> -> memref<72xi32, #tpu.memory_space<vmem>>
      %dma_wait3A_565 = arith.constant 0 : i32
      %dma_wait3A_566 = arith.constant 0 : i32
      %dma_wait3A_567 = tpu.memref_slice %arg3[%dma_wait3A_565, %dma_wait3A_566] : memref<1000000x64xf32, #tpu.memory_space<hbm>> -> memref<1000000x64xf32, #tpu.memory_space<hbm>>
      tpu.wait_indirect_dma semaphore(%arg11 : memref<!tpu.dma_semaphore, #tpu.memory_space<semaphore_mem>>) src(%dma_wait3A_567 : memref<1000000x64xf32, #tpu.memory_space<hbm>>) dst(%dma_wait3A_561 : memref<72x64xf32, #tpu.memory_space<vmem>>)
      %add3A_568 = arith.addi %mul3A_2, %add3A_549 : i32
      %dma_start3A_569 = arith.constant 0 : i32
      %dma_start3A_570 = arith.constant 0 : i32
      %dma_start3A_571 = tpu.memref_slice %arg4[%add3A_568, %dma_start3A_569, %dma_start3A_570] : memref<4096x200x64xf32, #tpu.memory_space<hbm>> -> memref<1x200x64xf32, #tpu.memory_space<hbm>>
      %dma_start3A_572 = tpu.memref_squeeze %dma_start3A_571 : memref<1x200x64xf32, #tpu.memory_space<hbm>> -> memref<200x64xf32, #tpu.memory_space<hbm>>
      %dma_start3A_573 = arith.constant 0 : i32
      %dma_start3A_574 = arith.constant 0 : i32
      %dma_start3A_575 = tpu.memref_slice %arg4[%add3A_568, %dma_start3A_573, %dma_start3A_574] : memref<4096x200x64xf32, #tpu.memory_space<hbm>> -> memref<1x200x64xf32, #tpu.memory_space<hbm>>
      %dma_start3A_576 = tpu.memref_squeeze %dma_start3A_575 : memref<1x200x64xf32, #tpu.memory_space<hbm>> -> memref<200x64xf32, #tpu.memory_space<hbm>>
      tpu.enqueue_dma source(%arg7 : memref<200x64xf32, #tpu.memory_space<vmem>>) target(%dma_start3A_576 : memref<200x64xf32, #tpu.memory_space<hbm>>) target_semaphore(%arg15 : memref<!tpu.dma_semaphore, #tpu.memory_space<semaphore_mem>>)
      %sub3A_577 = arith.constant 2 : i32
      %sub3A_578 = arith.subi %add3A_549, %sub3A_577 : i32
      %add3A_579 = arith.addi %mul3A_2, %sub3A_578 : i32
      %dma_wait3A_580 = arith.constant 0 : i32
      %dma_wait3A_581 = arith.constant 0 : i32
      %dma_wait3A_582 = tpu.memref_slice %arg4[%add3A_579, %dma_wait3A_580, %dma_wait3A_581] : memref<4096x200x64xf32, #tpu.memory_space<hbm>> -> memref<1x200x64xf32, #tpu.memory_space<hbm>>
      %dma_wait3A_583 = tpu.memref_squeeze %dma_wait3A_582 : memref<1x200x64xf32, #tpu.memory_space<hbm>> -> memref<200x64xf32, #tpu.memory_space<hbm>>
      %dma_wait3A_584 = arith.constant 0 : i32
      %dma_wait3A_585 = arith.constant 0 : i32
      %dma_wait3A_586 = tpu.memref_slice %arg4[%add3A_579, %dma_wait3A_584, %dma_wait3A_585] : memref<4096x200x64xf32, #tpu.memory_space<hbm>> -> memref<1x200x64xf32, #tpu.memory_space<hbm>>
      %dma_wait3A_587 = tpu.memref_squeeze %dma_wait3A_586 : memref<1x200x64xf32, #tpu.memory_space<hbm>> -> memref<200x64xf32, #tpu.memory_space<hbm>>
      tpu.wait_dma2 semaphore(%arg17 : memref<!tpu.dma_semaphore, #tpu.memory_space<semaphore_mem>>) src(%arg9 : memref<200x64xf32, #tpu.memory_space<vmem>>) dst(%dma_wait3A_587 : memref<200x64xf32, #tpu.memory_space<hbm>>)
      %add3A_588 = arith.constant 2 : i32
      %add3A_589 = arith.addi %add3A_549, %add3A_588 : i32
      %dma_start3A_590 = arith.constant 0 : i32
      %dma_start3A_591 = arith.constant 0 : i32
      %dma_start3A_592 = tpu.memref_slice %arg9[%dma_start3A_590, %dma_start3A_591] : memref<200x64xf32, #tpu.memory_space<vmem>> -> memref<128x64xf32, #tpu.memory_space<vmem>>
      %dma_start3A_593 = arith.constant 0 : i32
      %dma_start3A_594 = tpu.memref_slice %arg5[%add3A_589, %dma_start3A_593] : memref<128x200xi32, #tpu.memory_space<vmem>> -> memref<1x128xi32, #tpu.memory_space<vmem>>
      %dma_start3A_595 = tpu.memref_squeeze %dma_start3A_594 : memref<1x128xi32, #tpu.memory_space<vmem>> -> memref<128xi32, #tpu.memory_space<vmem>>
      %dma_start3A_596 = arith.constant 0 : i32
      %dma_start3A_597 = arith.constant 0 : i32
      %dma_start3A_598 = tpu.memref_slice %arg3[%dma_start3A_596, %dma_start3A_597] : memref<1000000x64xf32, #tpu.memory_space<hbm>> -> memref<1000000x64xf32, #tpu.memory_space<hbm>>
      tpu.enqueue_indirect_dma source(%dma_start3A_598 : memref<1000000x64xf32, #tpu.memory_space<hbm>>) target(%dma_start3A_592 : memref<128x64xf32, #tpu.memory_space<vmem>>) offsets(%dma_start3A_595 : memref<128xi32, #tpu.memory_space<vmem>>) semaphore(%arg13 : memref<!tpu.dma_semaphore, #tpu.memory_space<semaphore_mem>>)
      %dma_start3A_599 = arith.constant 128 : i32
      %dma_start3A_600 = arith.constant 0 : i32
      %dma_start3A_601 = tpu.memref_slice %arg9[%dma_start3A_599, %dma_start3A_600] : memref<200x64xf32, #tpu.memory_space<vmem>> -> memref<72x64xf32, #tpu.memory_space<vmem>>
      %dma_start3A_602 = arith.constant 128 : i32
      %dma_start3A_603 = tpu.memref_slice %arg5[%add3A_589, %dma_start3A_602] : memref<128x200xi32, #tpu.memory_space<vmem>> -> memref<1x72xi32, #tpu.memory_space<vmem>>
      %dma_start3A_604 = tpu.memref_squeeze %dma_start3A_603 : memref<1x72xi32, #tpu.memory_space<vmem>> -> memref<72xi32, #tpu.memory_space<vmem>>
      %dma_start3A_605 = arith.constant 0 : i32
      %dma_start3A_606 = arith.constant 0 : i32
      %dma_start3A_607 = tpu.memref_slice %arg3[%dma_start3A_605, %dma_start3A_606] : memref<1000000x64xf32, #tpu.memory_space<hbm>> -> memref<1000000x64xf32, #tpu.memory_space<hbm>>
      tpu.enqueue_indirect_dma source(%dma_start3A_607 : memref<1000000x64xf32, #tpu.memory_space<hbm>>) target(%dma_start3A_601 : memref<72x64xf32, #tpu.memory_space<vmem>>) offsets(%dma_start3A_604 : memref<72xi32, #tpu.memory_space<vmem>>) semaphore(%arg13 : memref<!tpu.dma_semaphore, #tpu.memory_space<semaphore_mem>>)
      %add3A_608 = arith.constant 2 : i32
      %add3A_609 = arith.addi %mul3A_488, %add3A_608 : i32
      %dma_wait3A_610 = arith.constant 0 : i32
      %dma_wait3A_611 = arith.constant 0 : i32
      %dma_wait3A_612 = tpu.memref_slice %arg8[%dma_wait3A_610, %dma_wait3A_611] : memref<200x64xf32, #tpu.memory_space<vmem>> -> memref<128x64xf32, #tpu.memory_space<vmem>>
      %dma_wait3A_613 = arith.constant 0 : i32
      %dma_wait3A_614 = tpu.memref_slice %arg5[%add3A_609, %dma_wait3A_613] : memref<128x200xi32, #tpu.memory_space<vmem>> -> memref<1x128xi32, #tpu.memory_space<vmem>>
      %dma_wait3A_615 = tpu.memref_squeeze %dma_wait3A_614 : memref<1x128xi32, #tpu.memory_space<vmem>> -> memref<128xi32, #tpu.memory_space<vmem>>
      %dma_wait3A_616 = arith.constant 0 : i32
      %dma_wait3A_617 = arith.constant 0 : i32
      %dma_wait3A_618 = tpu.memref_slice %arg3[%dma_wait3A_616, %dma_wait3A_617] : memref<1000000x64xf32, #tpu.memory_space<hbm>> -> memref<1000000x64xf32, #tpu.memory_space<hbm>>
      tpu.wait_indirect_dma semaphore(%arg12 : memref<!tpu.dma_semaphore, #tpu.memory_space<semaphore_mem>>) src(%dma_wait3A_618 : memref<1000000x64xf32, #tpu.memory_space<hbm>>) dst(%dma_wait3A_612 : memref<128x64xf32, #tpu.memory_space<vmem>>)
      %dma_wait3A_619 = arith.constant 128 : i32
      %dma_wait3A_620 = arith.constant 0 : i32
      %dma_wait3A_621 = tpu.memref_slice %arg8[%dma_wait3A_619, %dma_wait3A_620] : memref<200x64xf32, #tpu.memory_space<vmem>> -> memref<72x64xf32, #tpu.memory_space<vmem>>
      %dma_wait3A_622 = arith.constant 128 : i32
      %dma_wait3A_623 = tpu.memref_slice %arg5[%add3A_609, %dma_wait3A_622] : memref<128x200xi32, #tpu.memory_space<vmem>> -> memref<1x72xi32, #tpu.memory_space<vmem>>
      %dma_wait3A_624 = tpu.memref_squeeze %dma_wait3A_623 : memref<1x72xi32, #tpu.memory_space<vmem>> -> memref<72xi32, #tpu.memory_space<vmem>>
      %dma_wait3A_625 = arith.constant 0 : i32
      %dma_wait3A_626 = arith.constant 0 : i32
      %dma_wait3A_627 = tpu.memref_slice %arg3[%dma_wait3A_625, %dma_wait3A_626] : memref<1000000x64xf32, #tpu.memory_space<hbm>> -> memref<1000000x64xf32, #tpu.memory_space<hbm>>
      tpu.wait_indirect_dma semaphore(%arg12 : memref<!tpu.dma_semaphore, #tpu.memory_space<semaphore_mem>>) src(%dma_wait3A_627 : memref<1000000x64xf32, #tpu.memory_space<hbm>>) dst(%dma_wait3A_621 : memref<72x64xf32, #tpu.memory_space<vmem>>)
      %add3A_628 = arith.addi %mul3A_2, %add3A_609 : i32
      %dma_start3A_629 = arith.constant 0 : i32
      %dma_start3A_630 = arith.constant 0 : i32
      %dma_start3A_631 = tpu.memref_slice %arg4[%add3A_628, %dma_start3A_629, %dma_start3A_630] : memref<4096x200x64xf32, #tpu.memory_space<hbm>> -> memref<1x200x64xf32, #tpu.memory_space<hbm>>
      %dma_start3A_632 = tpu.memref_squeeze %dma_start3A_631 : memref<1x200x64xf32, #tpu.memory_space<hbm>> -> memref<200x64xf32, #tpu.memory_space<hbm>>
      %dma_start3A_633 = arith.constant 0 : i32
      %dma_start3A_634 = arith.constant 0 : i32
      %dma_start3A_635 = tpu.memref_slice %arg4[%add3A_628, %dma_start3A_633, %dma_start3A_634] : memref<4096x200x64xf32, #tpu.memory_space<hbm>> -> memref<1x200x64xf32, #tpu.memory_space<hbm>>
      %dma_start3A_636 = tpu.memref_squeeze %dma_start3A_635 : memref<1x200x64xf32, #tpu.memory_space<hbm>> -> memref<200x64xf32, #tpu.memory_space<hbm>>
      tpu.enqueue_dma source(%arg8 : memref<200x64xf32, #tpu.memory_space<vmem>>) target(%dma_start3A_636 : memref<200x64xf32, #tpu.memory_space<hbm>>) target_semaphore(%arg16 : memref<!tpu.dma_semaphore, #tpu.memory_space<semaphore_mem>>)
      %sub3A_637 = arith.constant 2 : i32
      %sub3A_638 = arith.subi %add3A_609, %sub3A_637 : i32
      %add3A_639 = arith.addi %mul3A_2, %sub3A_638 : i32
      %dma_wait3A_640 = arith.constant 0 : i32
      %dma_wait3A_641 = arith.constant 0 : i32
      %dma_wait3A_642 = tpu.memref_slice %arg4[%add3A_639, %dma_wait3A_640, %dma_wait3A_641] : memref<4096x200x64xf32, #tpu.memory_space<hbm>> -> memref<1x200x64xf32, #tpu.memory_space<hbm>>
      %dma_wait3A_643 = tpu.memref_squeeze %dma_wait3A_642 : memref<1x200x64xf32, #tpu.memory_space<hbm>> -> memref<200x64xf32, #tpu.memory_space<hbm>>
      %dma_wait3A_644 = arith.constant 0 : i32
      %dma_wait3A_645 = arith.constant 0 : i32
      %dma_wait3A_646 = tpu.memref_slice %arg4[%add3A_639, %dma_wait3A_644, %dma_wait3A_645] : memref<4096x200x64xf32, #tpu.memory_space<hbm>> -> memref<1x200x64xf32, #tpu.memory_space<hbm>>
      %dma_wait3A_647 = tpu.memref_squeeze %dma_wait3A_646 : memref<1x200x64xf32, #tpu.memory_space<hbm>> -> memref<200x64xf32, #tpu.memory_space<hbm>>
      tpu.wait_dma2 semaphore(%arg14 : memref<!tpu.dma_semaphore, #tpu.memory_space<semaphore_mem>>) src(%arg6 : memref<200x64xf32, #tpu.memory_space<vmem>>) dst(%dma_wait3A_647 : memref<200x64xf32, #tpu.memory_space<hbm>>)
      %add3A_648 = arith.constant 2 : i32
      %add3A_649 = arith.addi %add3A_609, %add3A_648 : i32
      %dma_start3A_650 = arith.constant 0 : i32
      %dma_start3A_651 = arith.constant 0 : i32
      %dma_start3A_652 = tpu.memref_slice %arg6[%dma_start3A_650, %dma_start3A_651] : memref<200x64xf32, #tpu.memory_space<vmem>> -> memref<128x64xf32, #tpu.memory_space<vmem>>
      %dma_start3A_653 = arith.constant 0 : i32
      %dma_start3A_654 = tpu.memref_slice %arg5[%add3A_649, %dma_start3A_653] : memref<128x200xi32, #tpu.memory_space<vmem>> -> memref<1x128xi32, #tpu.memory_space<vmem>>
      %dma_start3A_655 = tpu.memref_squeeze %dma_start3A_654 : memref<1x128xi32, #tpu.memory_space<vmem>> -> memref<128xi32, #tpu.memory_space<vmem>>
      %dma_start3A_656 = arith.constant 0 : i32
      %dma_start3A_657 = arith.constant 0 : i32
      %dma_start3A_658 = tpu.memref_slice %arg3[%dma_start3A_656, %dma_start3A_657] : memref<1000000x64xf32, #tpu.memory_space<hbm>> -> memref<1000000x64xf32, #tpu.memory_space<hbm>>
      tpu.enqueue_indirect_dma source(%dma_start3A_658 : memref<1000000x64xf32, #tpu.memory_space<hbm>>) target(%dma_start3A_652 : memref<128x64xf32, #tpu.memory_space<vmem>>) offsets(%dma_start3A_655 : memref<128xi32, #tpu.memory_space<vmem>>) semaphore(%arg10 : memref<!tpu.dma_semaphore, #tpu.memory_space<semaphore_mem>>)
      %dma_start3A_659 = arith.constant 128 : i32
      %dma_start3A_660 = arith.constant 0 : i32
      %dma_start3A_661 = tpu.memref_slice %arg6[%dma_start3A_659, %dma_start3A_660] : memref<200x64xf32, #tpu.memory_space<vmem>> -> memref<72x64xf32, #tpu.memory_space<vmem>>
      %dma_start3A_662 = arith.constant 128 : i32
      %dma_start3A_663 = tpu.memref_slice %arg5[%add3A_649, %dma_start3A_662] : memref<128x200xi32, #tpu.memory_space<vmem>> -> memref<1x72xi32, #tpu.memory_space<vmem>>
      %dma_start3A_664 = tpu.memref_squeeze %dma_start3A_663 : memref<1x72xi32, #tpu.memory_space<vmem>> -> memref<72xi32, #tpu.memory_space<vmem>>
      %dma_start3A_665 = arith.constant 0 : i32
      %dma_start3A_666 = arith.constant 0 : i32
      %dma_start3A_667 = tpu.memref_slice %arg3[%dma_start3A_665, %dma_start3A_666] : memref<1000000x64xf32, #tpu.memory_space<hbm>> -> memref<1000000x64xf32, #tpu.memory_space<hbm>>
      tpu.enqueue_indirect_dma source(%dma_start3A_667 : memref<1000000x64xf32, #tpu.memory_space<hbm>>) target(%dma_start3A_661 : memref<72x64xf32, #tpu.memory_space<vmem>>) offsets(%dma_start3A_664 : memref<72xi32, #tpu.memory_space<vmem>>) semaphore(%arg10 : memref<!tpu.dma_semaphore, #tpu.memory_space<semaphore_mem>>)
      %add3A_668 = arith.constant 3 : i32
      %add3A_669 = arith.addi %mul3A_488, %add3A_668 : i32
      %dma_wait3A_670 = arith.constant 0 : i32
      %dma_wait3A_671 = arith.constant 0 : i32
      %dma_wait3A_672 = tpu.memref_slice %arg9[%dma_wait3A_670, %dma_wait3A_671] : memref<200x64xf32, #tpu.memory_space<vmem>> -> memref<128x64xf32, #tpu.memory_space<vmem>>
      %dma_wait3A_673 = arith.constant 0 : i32
      %dma_wait3A_674 = tpu.memref_slice %arg5[%add3A_669, %dma_wait3A_673] : memref<128x200xi32, #tpu.memory_space<vmem>> -> memref<1x128xi32, #tpu.memory_space<vmem>>
      %dma_wait3A_675 = tpu.memref_squeeze %dma_wait3A_674 : memref<1x128xi32, #tpu.memory_space<vmem>> -> memref<128xi32, #tpu.memory_space<vmem>>
      %dma_wait3A_676 = arith.constant 0 : i32
      %dma_wait3A_677 = arith.constant 0 : i32
      %dma_wait3A_678 = tpu.memref_slice %arg3[%dma_wait3A_676, %dma_wait3A_677] : memref<1000000x64xf32, #tpu.memory_space<hbm>> -> memref<1000000x64xf32, #tpu.memory_space<hbm>>
      tpu.wait_indirect_dma semaphore(%arg13 : memref<!tpu.dma_semaphore, #tpu.memory_space<semaphore_mem>>) src(%dma_wait3A_678 : memref<1000000x64xf32, #tpu.memory_space<hbm>>) dst(%dma_wait3A_672 : memref<128x64xf32, #tpu.memory_space<vmem>>)
      %dma_wait3A_679 = arith.constant 128 : i32
      %dma_wait3A_680 = arith.constant 0 : i32
      %dma_wait3A_681 = tpu.memref_slice %arg9[%dma_wait3A_679, %dma_wait3A_680] : memref<200x64xf32, #tpu.memory_space<vmem>> -> memref<72x64xf32, #tpu.memory_space<vmem>>
      %dma_wait3A_682 = arith.constant 128 : i32
      %dma_wait3A_683 = tpu.memref_slice %arg5[%add3A_669, %dma_wait3A_682] : memref<128x200xi32, #tpu.memory_space<vmem>> -> memref<1x72xi32, #tpu.memory_space<vmem>>
      %dma_wait3A_684 = tpu.memref_squeeze %dma_wait3A_683 : memref<1x72xi32, #tpu.memory_space<vmem>> -> memref<72xi32, #tpu.memory_space<vmem>>
      %dma_wait3A_685 = arith.constant 0 : i32
      %dma_wait3A_686 = arith.constant 0 : i32
      %dma_wait3A_687 = tpu.memref_slice %arg3[%dma_wait3A_685, %dma_wait3A_686] : memref<1000000x64xf32, #tpu.memory_space<hbm>> -> memref<1000000x64xf32, #tpu.memory_space<hbm>>
      tpu.wait_indirect_dma semaphore(%arg13 : memref<!tpu.dma_semaphore, #tpu.memory_space<semaphore_mem>>) src(%dma_wait3A_687 : memref<1000000x64xf32, #tpu.memory_space<hbm>>) dst(%dma_wait3A_681 : memref<72x64xf32, #tpu.memory_space<vmem>>)
      %add3A_688 = arith.addi %mul3A_2, %add3A_669 : i32
      %dma_start3A_689 = arith.constant 0 : i32
      %dma_start3A_690 = arith.constant 0 : i32
      %dma_start3A_691 = tpu.memref_slice %arg4[%add3A_688, %dma_start3A_689, %dma_start3A_690] : memref<4096x200x64xf32, #tpu.memory_space<hbm>> -> memref<1x200x64xf32, #tpu.memory_space<hbm>>
      %dma_start3A_692 = tpu.memref_squeeze %dma_start3A_691 : memref<1x200x64xf32, #tpu.memory_space<hbm>> -> memref<200x64xf32, #tpu.memory_space<hbm>>
      %dma_start3A_693 = arith.constant 0 : i32
      %dma_start3A_694 = arith.constant 0 : i32
      %dma_start3A_695 = tpu.memref_slice %arg4[%add3A_688, %dma_start3A_693, %dma_start3A_694] : memref<4096x200x64xf32, #tpu.memory_space<hbm>> -> memref<1x200x64xf32, #tpu.memory_space<hbm>>
      %dma_start3A_696 = tpu.memref_squeeze %dma_start3A_695 : memref<1x200x64xf32, #tpu.memory_space<hbm>> -> memref<200x64xf32, #tpu.memory_space<hbm>>
      tpu.enqueue_dma source(%arg9 : memref<200x64xf32, #tpu.memory_space<vmem>>) target(%dma_start3A_696 : memref<200x64xf32, #tpu.memory_space<hbm>>) target_semaphore(%arg17 : memref<!tpu.dma_semaphore, #tpu.memory_space<semaphore_mem>>)
      %sub3A_697 = arith.constant 2 : i32
      %sub3A_698 = arith.subi %add3A_669, %sub3A_697 : i32
      %add3A_699 = arith.addi %mul3A_2, %sub3A_698 : i32
      %dma_wait3A_700 = arith.constant 0 : i32
      %dma_wait3A_701 = arith.constant 0 : i32
      %dma_wait3A_702 = tpu.memref_slice %arg4[%add3A_699, %dma_wait3A_700, %dma_wait3A_701] : memref<4096x200x64xf32, #tpu.memory_space<hbm>> -> memref<1x200x64xf32, #tpu.memory_space<hbm>>
      %dma_wait3A_703 = tpu.memref_squeeze %dma_wait3A_702 : memref<1x200x64xf32, #tpu.memory_space<hbm>> -> memref<200x64xf32, #tpu.memory_space<hbm>>
      %dma_wait3A_704 = arith.constant 0 : i32
      %dma_wait3A_705 = arith.constant 0 : i32
      %dma_wait3A_706 = tpu.memref_slice %arg4[%add3A_699, %dma_wait3A_704, %dma_wait3A_705] : memref<4096x200x64xf32, #tpu.memory_space<hbm>> -> memref<1x200x64xf32, #tpu.memory_space<hbm>>
      %dma_wait3A_707 = tpu.memref_squeeze %dma_wait3A_706 : memref<1x200x64xf32, #tpu.memory_space<hbm>> -> memref<200x64xf32, #tpu.memory_space<hbm>>
      tpu.wait_dma2 semaphore(%arg15 : memref<!tpu.dma_semaphore, #tpu.memory_space<semaphore_mem>>) src(%arg7 : memref<200x64xf32, #tpu.memory_space<vmem>>) dst(%dma_wait3A_707 : memref<200x64xf32, #tpu.memory_space<hbm>>)
      %add3A_708 = arith.constant 2 : i32
      %add3A_709 = arith.addi %add3A_669, %add3A_708 : i32
      %dma_start3A_710 = arith.constant 0 : i32
      %dma_start3A_711 = arith.constant 0 : i32
      %dma_start3A_712 = tpu.memref_slice %arg7[%dma_start3A_710, %dma_start3A_711] : memref<200x64xf32, #tpu.memory_space<vmem>> -> memref<128x64xf32, #tpu.memory_space<vmem>>
      %dma_start3A_713 = arith.constant 0 : i32
      %dma_start3A_714 = tpu.memref_slice %arg5[%add3A_709, %dma_start3A_713] : memref<128x200xi32, #tpu.memory_space<vmem>> -> memref<1x128xi32, #tpu.memory_space<vmem>>
      %dma_start3A_715 = tpu.memref_squeeze %dma_start3A_714 : memref<1x128xi32, #tpu.memory_space<vmem>> -> memref<128xi32, #tpu.memory_space<vmem>>
      %dma_start3A_716 = arith.constant 0 : i32
      %dma_start3A_717 = arith.constant 0 : i32
      %dma_start3A_718 = tpu.memref_slice %arg3[%dma_start3A_716, %dma_start3A_717] : memref<1000000x64xf32, #tpu.memory_space<hbm>> -> memref<1000000x64xf32, #tpu.memory_space<hbm>>
      tpu.enqueue_indirect_dma source(%dma_start3A_718 : memref<1000000x64xf32, #tpu.memory_space<hbm>>) target(%dma_start3A_712 : memref<128x64xf32, #tpu.memory_space<vmem>>) offsets(%dma_start3A_715 : memref<128xi32, #tpu.memory_space<vmem>>) semaphore(%arg11 : memref<!tpu.dma_semaphore, #tpu.memory_space<semaphore_mem>>)
      %dma_start3A_719 = arith.constant 128 : i32
      %dma_start3A_720 = arith.constant 0 : i32
      %dma_start3A_721 = tpu.memref_slice %arg7[%dma_start3A_719, %dma_start3A_720] : memref<200x64xf32, #tpu.memory_space<vmem>> -> memref<72x64xf32, #tpu.memory_space<vmem>>
      %dma_start3A_722 = arith.constant 128 : i32
      %dma_start3A_723 = tpu.memref_slice %arg5[%add3A_709, %dma_start3A_722] : memref<128x200xi32, #tpu.memory_space<vmem>> -> memref<1x72xi32, #tpu.memory_space<vmem>>
      %dma_start3A_724 = tpu.memref_squeeze %dma_start3A_723 : memref<1x72xi32, #tpu.memory_space<vmem>> -> memref<72xi32, #tpu.memory_space<vmem>>
      %dma_start3A_725 = arith.constant 0 : i32
      %dma_start3A_726 = arith.constant 0 : i32
      %dma_start3A_727 = tpu.memref_slice %arg3[%dma_start3A_725, %dma_start3A_726] : memref<1000000x64xf32, #tpu.memory_space<hbm>> -> memref<1000000x64xf32, #tpu.memory_space<hbm>>
      tpu.enqueue_indirect_dma source(%dma_start3A_727 : memref<1000000x64xf32, #tpu.memory_space<hbm>>) target(%dma_start3A_721 : memref<72x64xf32, #tpu.memory_space<vmem>>) offsets(%dma_start3A_724 : memref<72xi32, #tpu.memory_space<vmem>>) semaphore(%arg11 : memref<!tpu.dma_semaphore, #tpu.memory_space<semaphore_mem>>)
    }
    %scan3A_265 = arith.constant 30 : i32
    %dma_wait3A_266 = arith.constant 124 : i32
    %dma_wait3A_267 = arith.constant 0 : i32
    %dma_wait3A_268 = arith.constant 0 : i32
    %dma_wait3A_269 = tpu.memref_slice %arg6[%dma_wait3A_267, %dma_wait3A_268] : memref<200x64xf32, #tpu.memory_space<vmem>> -> memref<128x64xf32, #tpu.memory_space<vmem>>
    %dma_wait3A_270 = arith.constant 0 : i32
    %dma_wait3A_271 = tpu.memref_slice %arg5[%dma_wait3A_266, %dma_wait3A_270] : memref<128x200xi32, #tpu.memory_space<vmem>> -> memref<1x128xi32, #tpu.memory_space<vmem>>
    %dma_wait3A_272 = tpu.memref_squeeze %dma_wait3A_271 : memref<1x128xi32, #tpu.memory_space<vmem>> -> memref<128xi32, #tpu.memory_space<vmem>>
    %dma_wait3A_273 = arith.constant 0 : i32
    %dma_wait3A_274 = arith.constant 0 : i32
    %dma_wait3A_275 = tpu.memref_slice %arg3[%dma_wait3A_273, %dma_wait3A_274] : memref<1000000x64xf32, #tpu.memory_space<hbm>> -> memref<1000000x64xf32, #tpu.memory_space<hbm>>
    tpu.wait_indirect_dma semaphore(%arg10 : memref<!tpu.dma_semaphore, #tpu.memory_space<semaphore_mem>>) src(%dma_wait3A_275 : memref<1000000x64xf32, #tpu.memory_space<hbm>>) dst(%dma_wait3A_269 : memref<128x64xf32, #tpu.memory_space<vmem>>)
    %dma_wait3A_276 = arith.constant 124 : i32
    %dma_wait3A_277 = arith.constant 128 : i32
    %dma_wait3A_278 = arith.constant 0 : i32
    %dma_wait3A_279 = tpu.memref_slice %arg6[%dma_wait3A_277, %dma_wait3A_278] : memref<200x64xf32, #tpu.memory_space<vmem>> -> memref<72x64xf32, #tpu.memory_space<vmem>>
    %dma_wait3A_280 = arith.constant 128 : i32
    %dma_wait3A_281 = tpu.memref_slice %arg5[%dma_wait3A_276, %dma_wait3A_280] : memref<128x200xi32, #tpu.memory_space<vmem>> -> memref<1x72xi32, #tpu.memory_space<vmem>>
    %dma_wait3A_282 = tpu.memref_squeeze %dma_wait3A_281 : memref<1x72xi32, #tpu.memory_space<vmem>> -> memref<72xi32, #tpu.memory_space<vmem>>
    %dma_wait3A_283 = arith.constant 0 : i32
    %dma_wait3A_284 = arith.constant 0 : i32
    %dma_wait3A_285 = tpu.memref_slice %arg3[%dma_wait3A_283, %dma_wait3A_284] : memref<1000000x64xf32, #tpu.memory_space<hbm>> -> memref<1000000x64xf32, #tpu.memory_space<hbm>>
    tpu.wait_indirect_dma semaphore(%arg10 : memref<!tpu.dma_semaphore, #tpu.memory_space<semaphore_mem>>) src(%dma_wait3A_285 : memref<1000000x64xf32, #tpu.memory_space<hbm>>) dst(%dma_wait3A_279 : memref<72x64xf32, #tpu.memory_space<vmem>>)
    %add3A_286 = arith.constant 124 : i32
    %add3A_287 = arith.addi %mul3A_2, %add3A_286 : i32
    %dma_start3A_288 = arith.constant 0 : i32
    %dma_start3A_289 = arith.constant 0 : i32
    %dma_start3A_290 = tpu.memref_slice %arg4[%add3A_287, %dma_start3A_288, %dma_start3A_289] : memref<4096x200x64xf32, #tpu.memory_space<hbm>> -> memref<1x200x64xf32, #tpu.memory_space<hbm>>
    %dma_start3A_291 = tpu.memref_squeeze %dma_start3A_290 : memref<1x200x64xf32, #tpu.memory_space<hbm>> -> memref<200x64xf32, #tpu.memory_space<hbm>>
    %dma_start3A_292 = arith.constant 0 : i32
    %dma_start3A_293 = arith.constant 0 : i32
    %dma_start3A_294 = tpu.memref_slice %arg4[%add3A_287, %dma_start3A_292, %dma_start3A_293] : memref<4096x200x64xf32, #tpu.memory_space<hbm>> -> memref<1x200x64xf32, #tpu.memory_space<hbm>>
    %dma_start3A_295 = tpu.memref_squeeze %dma_start3A_294 : memref<1x200x64xf32, #tpu.memory_space<hbm>> -> memref<200x64xf32, #tpu.memory_space<hbm>>
    tpu.enqueue_dma source(%arg6 : memref<200x64xf32, #tpu.memory_space<vmem>>) target(%dma_start3A_295 : memref<200x64xf32, #tpu.memory_space<hbm>>) target_semaphore(%arg14 : memref<!tpu.dma_semaphore, #tpu.memory_space<semaphore_mem>>)
    %add3A_296 = arith.constant 122 : i32
    %add3A_297 = arith.addi %mul3A_2, %add3A_296 : i32
    %dma_wait3A_298 = arith.constant 0 : i32
    %dma_wait3A_299 = arith.constant 0 : i32
    %dma_wait3A_300 = tpu.memref_slice %arg4[%add3A_297, %dma_wait3A_298, %dma_wait3A_299] : memref<4096x200x64xf32, #tpu.memory_space<hbm>> -> memref<1x200x64xf32, #tpu.memory_space<hbm>>
    %dma_wait3A_301 = tpu.memref_squeeze %dma_wait3A_300 : memref<1x200x64xf32, #tpu.memory_space<hbm>> -> memref<200x64xf32, #tpu.memory_space<hbm>>
    %dma_wait3A_302 = arith.constant 0 : i32
    %dma_wait3A_303 = arith.constant 0 : i32
    %dma_wait3A_304 = tpu.memref_slice %arg4[%add3A_297, %dma_wait3A_302, %dma_wait3A_303] : memref<4096x200x64xf32, #tpu.memory_space<hbm>> -> memref<1x200x64xf32, #tpu.memory_space<hbm>>
    %dma_wait3A_305 = tpu.memref_squeeze %dma_wait3A_304 : memref<1x200x64xf32, #tpu.memory_space<hbm>> -> memref<200x64xf32, #tpu.memory_space<hbm>>
    tpu.wait_dma2 semaphore(%arg16 : memref<!tpu.dma_semaphore, #tpu.memory_space<semaphore_mem>>) src(%arg8 : memref<200x64xf32, #tpu.memory_space<vmem>>) dst(%dma_wait3A_305 : memref<200x64xf32, #tpu.memory_space<hbm>>)
    %dma_start3A_306 = arith.constant 126 : i32
    %dma_start3A_307 = arith.constant 0 : i32
    %dma_start3A_308 = arith.constant 0 : i32
    %dma_start3A_309 = tpu.memref_slice %arg8[%dma_start3A_307, %dma_start3A_308] : memref<200x64xf32, #tpu.memory_space<vmem>> -> memref<128x64xf32, #tpu.memory_space<vmem>>
    %dma_start3A_310 = arith.constant 0 : i32
    %dma_start3A_311 = tpu.memref_slice %arg5[%dma_start3A_306, %dma_start3A_310] : memref<128x200xi32, #tpu.memory_space<vmem>> -> memref<1x128xi32, #tpu.memory_space<vmem>>
    %dma_start3A_312 = tpu.memref_squeeze %dma_start3A_311 : memref<1x128xi32, #tpu.memory_space<vmem>> -> memref<128xi32, #tpu.memory_space<vmem>>
    %dma_start3A_313 = arith.constant 0 : i32
    %dma_start3A_314 = arith.constant 0 : i32
    %dma_start3A_315 = tpu.memref_slice %arg3[%dma_start3A_313, %dma_start3A_314] : memref<1000000x64xf32, #tpu.memory_space<hbm>> -> memref<1000000x64xf32, #tpu.memory_space<hbm>>
    tpu.enqueue_indirect_dma source(%dma_start3A_315 : memref<1000000x64xf32, #tpu.memory_space<hbm>>) target(%dma_start3A_309 : memref<128x64xf32, #tpu.memory_space<vmem>>) offsets(%dma_start3A_312 : memref<128xi32, #tpu.memory_space<vmem>>) semaphore(%arg12 : memref<!tpu.dma_semaphore, #tpu.memory_space<semaphore_mem>>)
    %dma_start3A_316 = arith.constant 126 : i32
    %dma_start3A_317 = arith.constant 128 : i32
    %dma_start3A_318 = arith.constant 0 : i32
    %dma_start3A_319 = tpu.memref_slice %arg8[%dma_start3A_317, %dma_start3A_318] : memref<200x64xf32, #tpu.memory_space<vmem>> -> memref<72x64xf32, #tpu.memory_space<vmem>>
    %dma_start3A_320 = arith.constant 128 : i32
    %dma_start3A_321 = tpu.memref_slice %arg5[%dma_start3A_316, %dma_start3A_320] : memref<128x200xi32, #tpu.memory_space<vmem>> -> memref<1x72xi32, #tpu.memory_space<vmem>>
    %dma_start3A_322 = tpu.memref_squeeze %dma_start3A_321 : memref<1x72xi32, #tpu.memory_space<vmem>> -> memref<72xi32, #tpu.memory_space<vmem>>
    %dma_start3A_323 = arith.constant 0 : i32
    %dma_start3A_324 = arith.constant 0 : i32
    %dma_start3A_325 = tpu.memref_slice %arg3[%dma_start3A_323, %dma_start3A_324] : memref<1000000x64xf32, #tpu.memory_space<hbm>> -> memref<1000000x64xf32, #tpu.memory_space<hbm>>
    tpu.enqueue_indirect_dma source(%dma_start3A_325 : memref<1000000x64xf32, #tpu.memory_space<hbm>>) target(%dma_start3A_319 : memref<72x64xf32, #tpu.memory_space<vmem>>) offsets(%dma_start3A_322 : memref<72xi32, #tpu.memory_space<vmem>>) semaphore(%arg12 : memref<!tpu.dma_semaphore, #tpu.memory_space<semaphore_mem>>)
    %dma_wait3A_326 = arith.constant 125 : i32
    %dma_wait3A_327 = arith.constant 0 : i32
    %dma_wait3A_328 = arith.constant 0 : i32
    %dma_wait3A_329 = tpu.memref_slice %arg7[%dma_wait3A_327, %dma_wait3A_328] : memref<200x64xf32, #tpu.memory_space<vmem>> -> memref<128x64xf32, #tpu.memory_space<vmem>>
    %dma_wait3A_330 = arith.constant 0 : i32
    %dma_wait3A_331 = tpu.memref_slice %arg5[%dma_wait3A_326, %dma_wait3A_330] : memref<128x200xi32, #tpu.memory_space<vmem>> -> memref<1x128xi32, #tpu.memory_space<vmem>>
    %dma_wait3A_332 = tpu.memref_squeeze %dma_wait3A_331 : memref<1x128xi32, #tpu.memory_space<vmem>> -> memref<128xi32, #tpu.memory_space<vmem>>
    %dma_wait3A_333 = arith.constant 0 : i32
    %dma_wait3A_334 = arith.constant 0 : i32
    %dma_wait3A_335 = tpu.memref_slice %arg3[%dma_wait3A_333, %dma_wait3A_334] : memref<1000000x64xf32, #tpu.memory_space<hbm>> -> memref<1000000x64xf32, #tpu.memory_space<hbm>>
    tpu.wait_indirect_dma semaphore(%arg11 : memref<!tpu.dma_semaphore, #tpu.memory_space<semaphore_mem>>) src(%dma_wait3A_335 : memref<1000000x64xf32, #tpu.memory_space<hbm>>) dst(%dma_wait3A_329 : memref<128x64xf32, #tpu.memory_space<vmem>>)
    %dma_wait3A_336 = arith.constant 125 : i32
    %dma_wait3A_337 = arith.constant 128 : i32
    %dma_wait3A_338 = arith.constant 0 : i32
    %dma_wait3A_339 = tpu.memref_slice %arg7[%dma_wait3A_337, %dma_wait3A_338] : memref<200x64xf32, #tpu.memory_space<vmem>> -> memref<72x64xf32, #tpu.memory_space<vmem>>
    %dma_wait3A_340 = arith.constant 128 : i32
    %dma_wait3A_341 = tpu.memref_slice %arg5[%dma_wait3A_336, %dma_wait3A_340] : memref<128x200xi32, #tpu.memory_space<vmem>> -> memref<1x72xi32, #tpu.memory_space<vmem>>
    %dma_wait3A_342 = tpu.memref_squeeze %dma_wait3A_341 : memref<1x72xi32, #tpu.memory_space<vmem>> -> memref<72xi32, #tpu.memory_space<vmem>>
    %dma_wait3A_343 = arith.constant 0 : i32
    %dma_wait3A_344 = arith.constant 0 : i32
    %dma_wait3A_345 = tpu.memref_slice %arg3[%dma_wait3A_343, %dma_wait3A_344] : memref<1000000x64xf32, #tpu.memory_space<hbm>> -> memref<1000000x64xf32, #tpu.memory_space<hbm>>
    tpu.wait_indirect_dma semaphore(%arg11 : memref<!tpu.dma_semaphore, #tpu.memory_space<semaphore_mem>>) src(%dma_wait3A_345 : memref<1000000x64xf32, #tpu.memory_space<hbm>>) dst(%dma_wait3A_339 : memref<72x64xf32, #tpu.memory_space<vmem>>)
    %add3A_346 = arith.constant 125 : i32
    %add3A_347 = arith.addi %mul3A_2, %add3A_346 : i32
    %dma_start3A_348 = arith.constant 0 : i32
    %dma_start3A_349 = arith.constant 0 : i32
    %dma_start3A_350 = tpu.memref_slice %arg4[%add3A_347, %dma_start3A_348, %dma_start3A_349] : memref<4096x200x64xf32, #tpu.memory_space<hbm>> -> memref<1x200x64xf32, #tpu.memory_space<hbm>>
    %dma_start3A_351 = tpu.memref_squeeze %dma_start3A_350 : memref<1x200x64xf32, #tpu.memory_space<hbm>> -> memref<200x64xf32, #tpu.memory_space<hbm>>
    %dma_start3A_352 = arith.constant 0 : i32
    %dma_start3A_353 = arith.constant 0 : i32
    %dma_start3A_354 = tpu.memref_slice %arg4[%add3A_347, %dma_start3A_352, %dma_start3A_353] : memref<4096x200x64xf32, #tpu.memory_space<hbm>> -> memref<1x200x64xf32, #tpu.memory_space<hbm>>
    %dma_start3A_355 = tpu.memref_squeeze %dma_start3A_354 : memref<1x200x64xf32, #tpu.memory_space<hbm>> -> memref<200x64xf32, #tpu.memory_space<hbm>>
    tpu.enqueue_dma source(%arg7 : memref<200x64xf32, #tpu.memory_space<vmem>>) target(%dma_start3A_355 : memref<200x64xf32, #tpu.memory_space<hbm>>) target_semaphore(%arg15 : memref<!tpu.dma_semaphore, #tpu.memory_space<semaphore_mem>>)
    %add3A_356 = arith.constant 123 : i32
    %add3A_357 = arith.addi %mul3A_2, %add3A_356 : i32
    %dma_wait3A_358 = arith.constant 0 : i32
    %dma_wait3A_359 = arith.constant 0 : i32
    %dma_wait3A_360 = tpu.memref_slice %arg4[%add3A_357, %dma_wait3A_358, %dma_wait3A_359] : memref<4096x200x64xf32, #tpu.memory_space<hbm>> -> memref<1x200x64xf32, #tpu.memory_space<hbm>>
    %dma_wait3A_361 = tpu.memref_squeeze %dma_wait3A_360 : memref<1x200x64xf32, #tpu.memory_space<hbm>> -> memref<200x64xf32, #tpu.memory_space<hbm>>
    %dma_wait3A_362 = arith.constant 0 : i32
    %dma_wait3A_363 = arith.constant 0 : i32
    %dma_wait3A_364 = tpu.memref_slice %arg4[%add3A_357, %dma_wait3A_362, %dma_wait3A_363] : memref<4096x200x64xf32, #tpu.memory_space<hbm>> -> memref<1x200x64xf32, #tpu.memory_space<hbm>>
    %dma_wait3A_365 = tpu.memref_squeeze %dma_wait3A_364 : memref<1x200x64xf32, #tpu.memory_space<hbm>> -> memref<200x64xf32, #tpu.memory_space<hbm>>
    tpu.wait_dma2 semaphore(%arg17 : memref<!tpu.dma_semaphore, #tpu.memory_space<semaphore_mem>>) src(%arg9 : memref<200x64xf32, #tpu.memory_space<vmem>>) dst(%dma_wait3A_365 : memref<200x64xf32, #tpu.memory_space<hbm>>)
    %dma_start3A_366 = arith.constant 127 : i32
    %dma_start3A_367 = arith.constant 0 : i32
    %dma_start3A_368 = arith.constant 0 : i32
    %dma_start3A_369 = tpu.memref_slice %arg9[%dma_start3A_367, %dma_start3A_368] : memref<200x64xf32, #tpu.memory_space<vmem>> -> memref<128x64xf32, #tpu.memory_space<vmem>>
    %dma_start3A_370 = arith.constant 0 : i32
    %dma_start3A_371 = tpu.memref_slice %arg5[%dma_start3A_366, %dma_start3A_370] : memref<128x200xi32, #tpu.memory_space<vmem>> -> memref<1x128xi32, #tpu.memory_space<vmem>>
    %dma_start3A_372 = tpu.memref_squeeze %dma_start3A_371 : memref<1x128xi32, #tpu.memory_space<vmem>> -> memref<128xi32, #tpu.memory_space<vmem>>
    %dma_start3A_373 = arith.constant 0 : i32
    %dma_start3A_374 = arith.constant 0 : i32
    %dma_start3A_375 = tpu.memref_slice %arg3[%dma_start3A_373, %dma_start3A_374] : memref<1000000x64xf32, #tpu.memory_space<hbm>> -> memref<1000000x64xf32, #tpu.memory_space<hbm>>
    tpu.enqueue_indirect_dma source(%dma_start3A_375 : memref<1000000x64xf32, #tpu.memory_space<hbm>>) target(%dma_start3A_369 : memref<128x64xf32, #tpu.memory_space<vmem>>) offsets(%dma_start3A_372 : memref<128xi32, #tpu.memory_space<vmem>>) semaphore(%arg13 : memref<!tpu.dma_semaphore, #tpu.memory_space<semaphore_mem>>)
    %dma_start3A_376 = arith.constant 127 : i32
    %dma_start3A_377 = arith.constant 128 : i32
    %dma_start3A_378 = arith.constant 0 : i32
    %dma_start3A_379 = tpu.memref_slice %arg9[%dma_start3A_377, %dma_start3A_378] : memref<200x64xf32, #tpu.memory_space<vmem>> -> memref<72x64xf32, #tpu.memory_space<vmem>>
    %dma_start3A_380 = arith.constant 128 : i32
    %dma_start3A_381 = tpu.memref_slice %arg5[%dma_start3A_376, %dma_start3A_380] : memref<128x200xi32, #tpu.memory_space<vmem>> -> memref<1x72xi32, #tpu.memory_space<vmem>>
    %dma_start3A_382 = tpu.memref_squeeze %dma_start3A_381 : memref<1x72xi32, #tpu.memory_space<vmem>> -> memref<72xi32, #tpu.memory_space<vmem>>
    %dma_start3A_383 = arith.constant 0 : i32
    %dma_start3A_384 = arith.constant 0 : i32
    %dma_start3A_385 = tpu.memref_slice %arg3[%dma_start3A_383, %dma_start3A_384] : memref<1000000x64xf32, #tpu.memory_space<hbm>> -> memref<1000000x64xf32, #tpu.memory_space<hbm>>
    tpu.enqueue_indirect_dma source(%dma_start3A_385 : memref<1000000x64xf32, #tpu.memory_space<hbm>>) target(%dma_start3A_379 : memref<72x64xf32, #tpu.memory_space<vmem>>) offsets(%dma_start3A_382 : memref<72xi32, #tpu.memory_space<vmem>>) semaphore(%arg13 : memref<!tpu.dma_semaphore, #tpu.memory_space<semaphore_mem>>)
    %dma_wait3A_386 = arith.constant 126 : i32
    %dma_wait3A_387 = arith.constant 0 : i32
    %dma_wait3A_388 = arith.constant 0 : i32
    %dma_wait3A_389 = tpu.memref_slice %arg8[%dma_wait3A_387, %dma_wait3A_388] : memref<200x64xf32, #tpu.memory_space<vmem>> -> memref<128x64xf32, #tpu.memory_space<vmem>>
    %dma_wait3A_390 = arith.constant 0 : i32
    %dma_wait3A_391 = tpu.memref_slice %arg5[%dma_wait3A_386, %dma_wait3A_390] : memref<128x200xi32, #tpu.memory_space<vmem>> -> memref<1x128xi32, #tpu.memory_space<vmem>>
    %dma_wait3A_392 = tpu.memref_squeeze %dma_wait3A_391 : memref<1x128xi32, #tpu.memory_space<vmem>> -> memref<128xi32, #tpu.memory_space<vmem>>
    %dma_wait3A_393 = arith.constant 0 : i32
    %dma_wait3A_394 = arith.constant 0 : i32
    %dma_wait3A_395 = tpu.memref_slice %arg3[%dma_wait3A_393, %dma_wait3A_394] : memref<1000000x64xf32, #tpu.memory_space<hbm>> -> memref<1000000x64xf32, #tpu.memory_space<hbm>>
    tpu.wait_indirect_dma semaphore(%arg12 : memref<!tpu.dma_semaphore, #tpu.memory_space<semaphore_mem>>) src(%dma_wait3A_395 : memref<1000000x64xf32, #tpu.memory_space<hbm>>) dst(%dma_wait3A_389 : memref<128x64xf32, #tpu.memory_space<vmem>>)
    %dma_wait3A_396 = arith.constant 126 : i32
    %dma_wait3A_397 = arith.constant 128 : i32
    %dma_wait3A_398 = arith.constant 0 : i32
    %dma_wait3A_399 = tpu.memref_slice %arg8[%dma_wait3A_397, %dma_wait3A_398] : memref<200x64xf32, #tpu.memory_space<vmem>> -> memref<72x64xf32, #tpu.memory_space<vmem>>
    %dma_wait3A_400 = arith.constant 128 : i32
    %dma_wait3A_401 = tpu.memref_slice %arg5[%dma_wait3A_396, %dma_wait3A_400] : memref<128x200xi32, #tpu.memory_space<vmem>> -> memref<1x72xi32, #tpu.memory_space<vmem>>
    %dma_wait3A_402 = tpu.memref_squeeze %dma_wait3A_401 : memref<1x72xi32, #tpu.memory_space<vmem>> -> memref<72xi32, #tpu.memory_space<vmem>>
    %dma_wait3A_403 = arith.constant 0 : i32
    %dma_wait3A_404 = arith.constant 0 : i32
    %dma_wait3A_405 = tpu.memref_slice %arg3[%dma_wait3A_403, %dma_wait3A_404] : memref<1000000x64xf32, #tpu.memory_space<hbm>> -> memref<1000000x64xf32, #tpu.memory_space<hbm>>
    tpu.wait_indirect_dma semaphore(%arg12 : memref<!tpu.dma_semaphore, #tpu.memory_space<semaphore_mem>>) src(%dma_wait3A_405 : memref<1000000x64xf32, #tpu.memory_space<hbm>>) dst(%dma_wait3A_399 : memref<72x64xf32, #tpu.memory_space<vmem>>)
    %add3A_406 = arith.constant 126 : i32
    %add3A_407 = arith.addi %mul3A_2, %add3A_406 : i32
    %dma_start3A_408 = arith.constant 0 : i32
    %dma_start3A_409 = arith.constant 0 : i32
    %dma_start3A_410 = tpu.memref_slice %arg4[%add3A_407, %dma_start3A_408, %dma_start3A_409] : memref<4096x200x64xf32, #tpu.memory_space<hbm>> -> memref<1x200x64xf32, #tpu.memory_space<hbm>>
    %dma_start3A_411 = tpu.memref_squeeze %dma_start3A_410 : memref<1x200x64xf32, #tpu.memory_space<hbm>> -> memref<200x64xf32, #tpu.memory_space<hbm>>
    %dma_start3A_412 = arith.constant 0 : i32
    %dma_start3A_413 = arith.constant 0 : i32
    %dma_start3A_414 = tpu.memref_slice %arg4[%add3A_407, %dma_start3A_412, %dma_start3A_413] : memref<4096x200x64xf32, #tpu.memory_space<hbm>> -> memref<1x200x64xf32, #tpu.memory_space<hbm>>
    %dma_start3A_415 = tpu.memref_squeeze %dma_start3A_414 : memref<1x200x64xf32, #tpu.memory_space<hbm>> -> memref<200x64xf32, #tpu.memory_space<hbm>>
    tpu.enqueue_dma source(%arg8 : memref<200x64xf32, #tpu.memory_space<vmem>>) target(%dma_start3A_415 : memref<200x64xf32, #tpu.memory_space<hbm>>) target_semaphore(%arg16 : memref<!tpu.dma_semaphore, #tpu.memory_space<semaphore_mem>>)
    %dma_wait3A_416 = arith.constant 127 : i32
    %dma_wait3A_417 = arith.constant 0 : i32
    %dma_wait3A_418 = arith.constant 0 : i32
    %dma_wait3A_419 = tpu.memref_slice %arg9[%dma_wait3A_417, %dma_wait3A_418] : memref<200x64xf32, #tpu.memory_space<vmem>> -> memref<128x64xf32, #tpu.memory_space<vmem>>
    %dma_wait3A_420 = arith.constant 0 : i32
    %dma_wait3A_421 = tpu.memref_slice %arg5[%dma_wait3A_416, %dma_wait3A_420] : memref<128x200xi32, #tpu.memory_space<vmem>> -> memref<1x128xi32, #tpu.memory_space<vmem>>
    %dma_wait3A_422 = tpu.memref_squeeze %dma_wait3A_421 : memref<1x128xi32, #tpu.memory_space<vmem>> -> memref<128xi32, #tpu.memory_space<vmem>>
    %dma_wait3A_423 = arith.constant 0 : i32
    %dma_wait3A_424 = arith.constant 0 : i32
    %dma_wait3A_425 = tpu.memref_slice %arg3[%dma_wait3A_423, %dma_wait3A_424] : memref<1000000x64xf32, #tpu.memory_space<hbm>> -> memref<1000000x64xf32, #tpu.memory_space<hbm>>
    tpu.wait_indirect_dma semaphore(%arg13 : memref<!tpu.dma_semaphore, #tpu.memory_space<semaphore_mem>>) src(%dma_wait3A_425 : memref<1000000x64xf32, #tpu.memory_space<hbm>>) dst(%dma_wait3A_419 : memref<128x64xf32, #tpu.memory_space<vmem>>)
    %dma_wait3A_426 = arith.constant 127 : i32
    %dma_wait3A_427 = arith.constant 128 : i32
    %dma_wait3A_428 = arith.constant 0 : i32
    %dma_wait3A_429 = tpu.memref_slice %arg9[%dma_wait3A_427, %dma_wait3A_428] : memref<200x64xf32, #tpu.memory_space<vmem>> -> memref<72x64xf32, #tpu.memory_space<vmem>>
    %dma_wait3A_430 = arith.constant 128 : i32
    %dma_wait3A_431 = tpu.memref_slice %arg5[%dma_wait3A_426, %dma_wait3A_430] : memref<128x200xi32, #tpu.memory_space<vmem>> -> memref<1x72xi32, #tpu.memory_space<vmem>>
    %dma_wait3A_432 = tpu.memref_squeeze %dma_wait3A_431 : memref<1x72xi32, #tpu.memory_space<vmem>> -> memref<72xi32, #tpu.memory_space<vmem>>
    %dma_wait3A_433 = arith.constant 0 : i32
    %dma_wait3A_434 = arith.constant 0 : i32
    %dma_wait3A_435 = tpu.memref_slice %arg3[%dma_wait3A_433, %dma_wait3A_434] : memref<1000000x64xf32, #tpu.memory_space<hbm>> -> memref<1000000x64xf32, #tpu.memory_space<hbm>>
    tpu.wait_indirect_dma semaphore(%arg13 : memref<!tpu.dma_semaphore, #tpu.memory_space<semaphore_mem>>) src(%dma_wait3A_435 : memref<1000000x64xf32, #tpu.memory_space<hbm>>) dst(%dma_wait3A_429 : memref<72x64xf32, #tpu.memory_space<vmem>>)
    %add3A_436 = arith.constant 127 : i32
    %add3A_437 = arith.addi %mul3A_2, %add3A_436 : i32
    %dma_start3A_438 = arith.constant 0 : i32
    %dma_start3A_439 = arith.constant 0 : i32
    %dma_start3A_440 = tpu.memref_slice %arg4[%add3A_437, %dma_start3A_438, %dma_start3A_439] : memref<4096x200x64xf32, #tpu.memory_space<hbm>> -> memref<1x200x64xf32, #tpu.memory_space<hbm>>
    %dma_start3A_441 = tpu.memref_squeeze %dma_start3A_440 : memref<1x200x64xf32, #tpu.memory_space<hbm>> -> memref<200x64xf32, #tpu.memory_space<hbm>>
    %dma_start3A_442 = arith.constant 0 : i32
    %dma_start3A_443 = arith.constant 0 : i32
    %dma_start3A_444 = tpu.memref_slice %arg4[%add3A_437, %dma_start3A_442, %dma_start3A_443] : memref<4096x200x64xf32, #tpu.memory_space<hbm>> -> memref<1x200x64xf32, #tpu.memory_space<hbm>>
    %dma_start3A_445 = tpu.memref_squeeze %dma_start3A_444 : memref<1x200x64xf32, #tpu.memory_space<hbm>> -> memref<200x64xf32, #tpu.memory_space<hbm>>
    tpu.enqueue_dma source(%arg9 : memref<200x64xf32, #tpu.memory_space<vmem>>) target(%dma_start3A_445 : memref<200x64xf32, #tpu.memory_space<hbm>>) target_semaphore(%arg17 : memref<!tpu.dma_semaphore, #tpu.memory_space<semaphore_mem>>)
    %add3A_446 = arith.constant 124 : i32
    %add3A_447 = arith.addi %mul3A_2, %add3A_446 : i32
    %dma_wait3A_448 = arith.constant 0 : i32
    %dma_wait3A_449 = arith.constant 0 : i32
    %dma_wait3A_450 = tpu.memref_slice %arg4[%add3A_447, %dma_wait3A_448, %dma_wait3A_449] : memref<4096x200x64xf32, #tpu.memory_space<hbm>> -> memref<1x200x64xf32, #tpu.memory_space<hbm>>
    %dma_wait3A_451 = tpu.memref_squeeze %dma_wait3A_450 : memref<1x200x64xf32, #tpu.memory_space<hbm>> -> memref<200x64xf32, #tpu.memory_space<hbm>>
    %dma_wait3A_452 = arith.constant 0 : i32
    %dma_wait3A_453 = arith.constant 0 : i32
    %dma_wait3A_454 = tpu.memref_slice %arg4[%add3A_447, %dma_wait3A_452, %dma_wait3A_453] : memref<4096x200x64xf32, #tpu.memory_space<hbm>> -> memref<1x200x64xf32, #tpu.memory_space<hbm>>
    %dma_wait3A_455 = tpu.memref_squeeze %dma_wait3A_454 : memref<1x200x64xf32, #tpu.memory_space<hbm>> -> memref<200x64xf32, #tpu.memory_space<hbm>>
    tpu.wait_dma2 semaphore(%arg14 : memref<!tpu.dma_semaphore, #tpu.memory_space<semaphore_mem>>) src(%arg6 : memref<200x64xf32, #tpu.memory_space<vmem>>) dst(%dma_wait3A_455 : memref<200x64xf32, #tpu.memory_space<hbm>>)
    %add3A_456 = arith.constant 125 : i32
    %add3A_457 = arith.addi %mul3A_2, %add3A_456 : i32
    %dma_wait3A_458 = arith.constant 0 : i32
    %dma_wait3A_459 = arith.constant 0 : i32
    %dma_wait3A_460 = tpu.memref_slice %arg4[%add3A_457, %dma_wait3A_458, %dma_wait3A_459] : memref<4096x200x64xf32, #tpu.memory_space<hbm>> -> memref<1x200x64xf32, #tpu.memory_space<hbm>>
    %dma_wait3A_461 = tpu.memref_squeeze %dma_wait3A_460 : memref<1x200x64xf32, #tpu.memory_space<hbm>> -> memref<200x64xf32, #tpu.memory_space<hbm>>
    %dma_wait3A_462 = arith.constant 0 : i32
    %dma_wait3A_463 = arith.constant 0 : i32
    %dma_wait3A_464 = tpu.memref_slice %arg4[%add3A_457, %dma_wait3A_462, %dma_wait3A_463] : memref<4096x200x64xf32, #tpu.memory_space<hbm>> -> memref<1x200x64xf32, #tpu.memory_space<hbm>>
    %dma_wait3A_465 = tpu.memref_squeeze %dma_wait3A_464 : memref<1x200x64xf32, #tpu.memory_space<hbm>> -> memref<200x64xf32, #tpu.memory_space<hbm>>
    tpu.wait_dma2 semaphore(%arg15 : memref<!tpu.dma_semaphore, #tpu.memory_space<semaphore_mem>>) src(%arg7 : memref<200x64xf32, #tpu.memory_space<vmem>>) dst(%dma_wait3A_465 : memref<200x64xf32, #tpu.memory_space<hbm>>)
    %add3A_466 = arith.constant 126 : i32
    %add3A_467 = arith.addi %mul3A_2, %add3A_466 : i32
    %dma_wait3A_468 = arith.constant 0 : i32
    %dma_wait3A_469 = arith.constant 0 : i32
    %dma_wait3A_470 = tpu.memref_slice %arg4[%add3A_467, %dma_wait3A_468, %dma_wait3A_469] : memref<4096x200x64xf32, #tpu.memory_space<hbm>> -> memref<1x200x64xf32, #tpu.memory_space<hbm>>
    %dma_wait3A_471 = tpu.memref_squeeze %dma_wait3A_470 : memref<1x200x64xf32, #tpu.memory_space<hbm>> -> memref<200x64xf32, #tpu.memory_space<hbm>>
    %dma_wait3A_472 = arith.constant 0 : i32
    %dma_wait3A_473 = arith.constant 0 : i32
    %dma_wait3A_474 = tpu.memref_slice %arg4[%add3A_467, %dma_wait3A_472, %dma_wait3A_473] : memref<4096x200x64xf32, #tpu.memory_space<hbm>> -> memref<1x200x64xf32, #tpu.memory_space<hbm>>
    %dma_wait3A_475 = tpu.memref_squeeze %dma_wait3A_474 : memref<1x200x64xf32, #tpu.memory_space<hbm>> -> memref<200x64xf32, #tpu.memory_space<hbm>>
    tpu.wait_dma2 semaphore(%arg16 : memref<!tpu.dma_semaphore, #tpu.memory_space<semaphore_mem>>) src(%arg8 : memref<200x64xf32, #tpu.memory_space<vmem>>) dst(%dma_wait3A_475 : memref<200x64xf32, #tpu.memory_space<hbm>>)
    %add3A_476 = arith.constant 127 : i32
    %add3A_477 = arith.addi %mul3A_2, %add3A_476 : i32
    %dma_wait3A_478 = arith.constant 0 : i32
    %dma_wait3A_479 = arith.constant 0 : i32
    %dma_wait3A_480 = tpu.memref_slice %arg4[%add3A_477, %dma_wait3A_478, %dma_wait3A_479] : memref<4096x200x64xf32, #tpu.memory_space<hbm>> -> memref<1x200x64xf32, #tpu.memory_space<hbm>>
    %dma_wait3A_481 = tpu.memref_squeeze %dma_wait3A_480 : memref<1x200x64xf32, #tpu.memory_space<hbm>> -> memref<200x64xf32, #tpu.memory_space<hbm>>
    %dma_wait3A_482 = arith.constant 0 : i32
    %dma_wait3A_483 = arith.constant 0 : i32
    %dma_wait3A_484 = tpu.memref_slice %arg4[%add3A_477, %dma_wait3A_482, %dma_wait3A_483] : memref<4096x200x64xf32, #tpu.memory_space<hbm>> -> memref<1x200x64xf32, #tpu.memory_space<hbm>>
    %dma_wait3A_485 = tpu.memref_squeeze %dma_wait3A_484 : memref<1x200x64xf32, #tpu.memory_space<hbm>> -> memref<200x64xf32, #tpu.memory_space<hbm>>
    tpu.wait_dma2 semaphore(%arg17 : memref<!tpu.dma_semaphore, #tpu.memory_space<semaphore_mem>>) src(%arg9 : memref<200x64xf32, #tpu.memory_space<vmem>>) dst(%dma_wait3A_485 : memref<200x64xf32, #tpu.memory_space<hbm>>)
    return
  }
}

</mosaic_0001>

<sc_bundles>
// kernel: kernel.3.cloned.1.call-start
scs
__scs_entry_jumppad:
0x0: {  	(pc) =	sbr.rel $0x88, $3  }
0x1: {  	(tag) =	ssettag $0x0;
	lr =	simm.s32 $0x1  }
0x2: {  	[smem:$0x3F9F] =	sst lr;
	_ =	strace $0xD0000000  }
0x3: {  	_ = 	snop  }
0x4: {  	_ = 	snop  }
0x5: {  	_ = 	snop  }
0x6: {  	_ = 	snop  }
0x7: {  	_ = 	snop  }
__scs_overlays_trampoline_lowered:
0x8: {  	[smem:$0x3FAE] =	sst s0  }
0x9: {  	[smem:$0x3FAF] =	sst s1  }
0xa: {  	[smem:$0x3FB0] =	sst s2  }
0xb: {  	[smem:$0x3FB1] =	sst s3  }
0xc: {  	[smem:$0x3FB2] =	sst s4  }
0xd: {  	[smem:$0x3FB3] =	sst s5  }
0xe: {  	[smem:$0x3FB4] =	sst s6  }
0xf: {  	[smem:$0x3FB5] =	sst s7  }
0x10: {  	[smem:$0x3FB6] =	sst s8  }
0x11: {  	[smem:$0x3FB7] =	sst s9;
	s0 =	simm.s32 @!p0 $0x0  }
0x12: {  	s1 =	sld [smem:$0x3F9D];
	s0 =	simm.s32 @p0 $0x1  }
0x13: {  	[smem:$0x3FB8] =	sst s0;
	s0 =	simm.s32 @!p1 $0x0  }
0x14: {  	s2 =	sld [smem:$0x3F9C];
	s0 =	simm.s32 @p1 $0x1  }
0x15: {  	[smem:$0x3FB9] =	sst s0;
	s0 =	simm.s32 @!p2 $0x0  }
0x16: {  	s3 =	sld [smem:$0x3FDB];
	s0 =	simm.s32 @p2 $0x1  }
0x17: {  	s4 =	simm.s32 $0x1BF5;
	[smem:$0x3FBB] =	sst s0  }
0x18: {  	s0 =	sld [smem:$0x3F9E];
	_ =	swait.ge [sflag:s4], $0x0  }
0x19: {  	s7 =	sld [smem:$0x3F9F]  }
0x1a: {  	s8 =	sadd.s32 $0xFFFFE003, lr  }
0x1b: {  	s9 =	sadd.s32 $0xFFFFFEF7, lr;
	s5 =	simm.s32 $0xFFFFFFFF;
	p2 =	slt.u32 s8, $0xFFFFF086  }
0x1c: {  	p1 =	slt.u32 s9, $0xF7A;
	s5 =	simm.s32 @!p2 $0x0  }
0x1d: {  	s5 =	simm.s32 @p1 $0x1;
	p0 =	seq.s32 s7, s2  }
0x1e: {  	s7 =	smul.u32 @!p0 $0xF7A, s2;
	p2 =	seq.s32 @!p0 s5, $0x0  }
0x1f: {  	s9 =	smul.u32 $0xF7A, s1;
	s8 =	simm.s32 @!p0 $0x1BF5;
	p2 =	por !p2, p0  }
0x20: {  	[sflag:s8] =	ssyncset.s32 @!p0 $0xFFFFF086;
	s6 =	sadd.s32 @!p0 s3, s7;
	s7 =	simm.s32 @!p0 $0x108  }
0x21: {  	s3 =	sadd.s32 s3, s9;
	s6 =	sadd.s32 @!p0 $0x88, s6;
	s7 =	simm.s32 @p2 $0x1082  }
0x22: {  	[simem:s7], [sflag:s8] =	dma.local @!p0 [hbm:s6], $0xF7A  }
0x23: {  	s9 =	sor.u32 $0xD0000000, s2;
	s6 =	simm.s32 $0x108;
	_ =	swait.ge @!p0 [sflag:s8], $0x0  }
0x24: {  	s3 =	sadd.s32 $0x88, s3;
	s6 =	simm.s32 @!p1 $0x1082;
	[sflag:s4] =	ssyncset.s32 $0xFFFFF086  }
0x25: {  	[simem:s6], [sflag:s4] =	dma.local [hbm:s3], $0xF7A  }
0x26: {  	[smem:$0x3F9F] =	sst s1;
	(tag) =	ssettag s2;
	_ =	strace s9  }
0x27: {  	s1 =	sld [smem:$0x3FAF]  }
0x28: {  	s2 =	sld [smem:$0x3FB0]  }
0x29: {  	s4 =	sld [smem:$0x3FB2]  }
0x2a: {  	p0 =	seq.s32 s5, $0x0;
	s5 =	sld [smem:$0x3FB3]  }
0x2b: {  	s6 =	sld [smem:$0x3FB4]  }
0x2c: {  	s7 =	sld [smem:$0x3FB5]  }
0x2d: {  	s3 =	simm.s32 $0x108;
	s8 =	sld [smem:$0x3FB6]  }
0x2e: {  	s3 =	simm.s32 @!p0 $0x1082;
	s9 =	sld [smem:$0x3FB7]  }
0x2f: {  	lr =	sadd.s32 s0, s3;
	s0 =	sld [smem:$0x3FAE]  }
0x30: {  	s3 =	sld [smem:$0x3FB1]  }
0x31: {  	[smem:$0x3FBA] =	sst s10  }
0x32: {  	s10 =	sld [smem:$0x3FB8];
	_ =	sdelay $0x3  }
0x33: {  	p0 =	seq.s32 s10, $0x1;
	s10 =	sld [smem:$0x3FBA];
	_ =	sdelay $0x3  }
0x34: {  	[smem:$0x3FBA] =	sst s10  }
0x35: {  	s10 =	sld [smem:$0x3FB9];
	_ =	sdelay $0x3  }
0x36: {  	p1 =	seq.s32 s10, $0x1;
	s10 =	sld [smem:$0x3FBA];
	_ =	sdelay $0x3  }
0x37: {  	[smem:$0x3FBA] =	sst s10  }
0x38: {  	s10 =	sld [smem:$0x3FBB]  }
0x39: {  	_ = 	snop;
	(pc) =	sbr.ind lr, $3  }
0x3a: {  	_ = 	snop  }
0x3b: {  	_ = 	snop  }
0x3c: {  	p2 =	seq.s32 s10, $0x1;
	s10 =	sld [smem:$0x3FBA]  }
0x3d: {  	_ =	shalt  }
0x3e: {  	_ =	shalt  }
0x3f: {  	_ =	shalt  }
0x40: {  	_ =	shalt  }
0x41: {  	_ =	shalt  }
0x42: {  	_ =	shalt  }
0x43: {  	_ =	shalt  }
0x44: {  	_ =	shalt  }
0x45: {  	_ =	shalt  }
0x46: {  	_ =	shalt  }
0x47: {  	_ =	shalt  }
0x48: {  	_ =	shalt  }
0x49: {  	_ =	shalt  }
0x4a: {  	_ =	shalt  }
0x4b: {  	_ =	shalt  }
0x4c: {  	_ =	shalt  }
0x4d: {  	_ =	shalt  }
0x4e: {  	_ =	shalt  }
0x4f: {  	_ =	shalt  }
0x50: {  	_ =	shalt  }
0x51: {  	_ =	shalt  }
0x52: {  	_ =	shalt  }
0x53: {  	_ =	shalt  }
0x54: {  	_ =	shalt  }
0x55: {  	_ =	shalt  }
0x56: {  	_ =	shalt  }
0x57: {  	_ =	shalt  }
0x58: {  	_ =	shalt  }
0x59: {  	_ =	shalt  }
0x5a: {  	_ =	shalt  }
0x5b: {  	_ =	shalt  }
0x5c: {  	_ =	shalt  }
0x5d: {  	_ =	shalt  }
0x5e: {  	_ =	shalt  }
0x5f: {  	_ =	shalt  }
0x60: {  	_ =	shalt  }
0x61: {  	_ =	shalt  }
0x62: {  	_ =	shalt  }
0x63: {  	_ =	shalt  }
0x64: {  	_ =	shalt  }
0x65: {  	_ =	shalt  }
0x66: {  	_ =	shalt  }
0x67: {  	_ =	shalt  }
0x68: {  	_ =	shalt  }
0x69: {  	_ =	shalt  }
0x6a: {  	_ =	shalt  }
0x6b: {  	_ =	shalt  }
0x6c: {  	_ =	shalt  }
0x6d: {  	_ =	shalt  }
0x6e: {  	_ =	shalt  }
0x6f: {  	_ =	shalt  }
0x70: {  	_ =	shalt  }
0x71: {  	_ =	shalt  }
0x72: {  	_ =	shalt  }
0x73: {  	_ =	shalt  }
0x74: {  	_ =	shalt  }
0x75: {  	_ =	shalt  }
0x76: {  	_ =	shalt  }
0x77: {  	_ =	shalt  }
0x78: {  	_ =	shalt  }
0x79: {  	_ =	shalt  }
0x7a: {  	_ =	shalt  }
0x7b: {  	_ =	shalt  }
0x7c: {  	_ =	shalt  }
0x7d: {  	_ =	shalt  }
0x7e: {  	_ =	shalt  }
0x7f: {  	_ =	shalt  }
0x80: {  	_ =	shalt  }
0x81: {  	_ =	shalt  }
0x82: {  	_ =	shalt  }
0x83: {  	_ =	shalt  }
0x84: {  	_ =	shalt  }
0x85: {  	_ =	shalt  }
0x86: {  	_ =	shalt  }
0x87: {  	_ =	shalt  }
.Lfunc_end0:
.L_simem_size_0:
called_computation.1_lowered:
.L_overlay_start_0:
0x88: {  	s2 =	sld [smem:$0x3FD9]  }
0x89: {  	s3 =	sld [smem:$0x3FFE];
	_ =	sdelay $0x1  }
0x8a: {  	s1 =	srdreg.scid  }
0x8b: {  	s0 =	sand.u32 $0x1, s1  }
0x8c: {  	s17 =	sshll.u32 s0, $0xA;
	s2 =	sadd.s32 s3, s2  }
0x8d: {  	s2 =	sadd.s32 s2, s17  }
0x8e: {  	[smem:$0x3FC6] =	sst s2  }
0x8f: {  	_ = 	snop  }
0x90: {  	s2 =	sld [smem:$0x3FD0];
	(tm) =	ssettm $0x1  }
0x91: {  	s18 =	sld [smem:$0x3FFB];
	_ =	sdelay $0x3  }
0x92: {  	_ =	strace s18  }
0x93: {  	s3 =	sld [smem:$0x3FFC];
	_ =	sdelay $0x3  }
0x94: {  	_ =	strace s3  }
0x95: {  	s3 =	sld [smem:$0x3FFD];
	_ =	sdelay $0x3  }
0x96: {  	_ =	strace s3  }
0x97: {  	_ =	strace $0x8FFFFFFF  }
0x98: {  	s19 =	sld [smem:$0x3FDB];
	_ =	sdelay $0x1  }
0x99: {  	s4 =	simm.s32 $_scs_section_size  }
0x9a: {  	s5 =	simm.s32 $_size__tile_overlayer_lowered;
	s6 =	simm.s32 $_tile_overlayer_lowered  }
0x9b: {  	s22 =	simm.s32 $0x1BFF;
	s21 =	sshll.u32 s6, $0x1;
	s3 =	sadd.s32 s4, s19  }
0x9c: {  	s7 =	simm.s32 $0x0;
	s20 =	sshll.u32 s5, $0x1;
	s5 =	sadd.s32 s21, s3  }
0x9d: {  	[timem:s7], [sflag:s22] =	dma.local [hbm:s5], s20  }
0x9e: {  	_ =	swait.ge [sflag:s22], s20  }
0x9f: {  	s4 =	ssub.s32 $0x0, s20;
	[sflag:s22] =	ssyncset.done $0x0  }
0xa0: {  	[sflag:s22] =	ssyncadd.s32 s4;
	_ =	sdelay $0x1  }
0xa1: {  	s23 =	simm.s32 $0x1B8B  }
0xa2: {  	_ =	swait.ge [sflag:s23], $0x1  }
0xa3: {  	[sflag:s23] =	ssyncset.done $0x0  }
0xa4: {  	s25 =	simm.s32 $0x1B8E;
	s24 =	sld [smem:$0x3FFE];
	[sflag:s23] =	ssyncadd.s32 $0xFFFFFFFF  }
0xa5: {  	s26 =	simm.s32 $execute0_lowered;
	[smem:$0x3FD2] =	sst s25  }
0xa6: {  	s5 =	sshll.u32 s26, $0x1;
	_ =	strace $0x80000046;
	[dreg:$0x1] =	wrdreg $0xFFFFFFFF  }
0xa7: {  	s28 =	simm.s32 $_size_execute0_lowered;
	s3 =	sadd.s32 s3, s5;
	[dreg:$0x0] =	wrdreg $0x0  }
0xa8: {  	s5 =	sshll.u32 s28, $0x1;
	[dreg:$0x2] =	wrdreg s3  }
0xa9: {  	[dreg:$0x3] =	wrdreg s5  }
0xaa: {  	[dreg:$0x4] =	wrdreg $0xC0  }
0xab: {  	_ =	task [dreg:s7], $0x5FFFF  }
0xac: {  	[dreg:$0x1] =	wrdreg $0xFFFFFFFF  }
0xad: {  	[dreg:$0x0] =	wrdreg $0x60  }
0xae: {  	[dreg:$0x2] =	wrdreg s24  }
0xaf: {  	[dreg:$0x3] =	wrdreg s2  }
0xb0: {  	[dreg:$0x4] =	wrdreg $0x9  }
0xb1: {  	_ =	task.clear_ibuf [dreg:s7], $0x5FFFF;
	_ =	strace $0x90000046  }
0xb2: {  	s29 =	simm.s32 $0x9;
	_ =	strace $0x80000048  }
0xb3: {  	_ =	swait.ge [sflag:s29], $0x1  }
0xb4: {  	[sflag:s29] =	ssyncadd.s32 $0xFFFFFFFF  }
0xb5: {  	_ =	strace $0x90000048  }
0xb6: {  	_ =	sfence  }
0xb7: {  	s30 =	sld [smem:$0x0];
	_ =	sdelay $0x2  }
0xb8: {  	s31 =	sshll.u32 s1, $0xD;
	s1 =	sshrl.u32 s1, $0x2  }
0xb9: {  	s3 =	sand.u32 $0x4000, s31;
	s1 =	sadd.s32 s1, s30  }
0xba: {  	s0 =	sor.u32 s3, s0;
	s1 =	sshll.u32 s1, $0x11  }
0xbb: {  	s0 =	sor.u32 s1, s0  }
0xbc: {  	s0 =	sadd.s32 $0x8F2B, s0  }
0xbd: {  	[sflag:s0] =	ssyncadd.remote.s32 $0x1  }
0xbe: {  	_ =	sfence.sel $0xFFFF  }
0xbf: {  	[dreg:$0x0] =	wrdreg $0xFFFFFFFF;
	(pc) =	sbr.abs _section_cstart, $3  }
0xc0: {  	[dreg:$0x1] =	wrdreg $0xFFFFFFFF  }
0xc1: {  	_ =	task.clear_ibuf [dreg:s7], $0x2FFFF;
	_ =	strace $0x9FFFFFFF  }
0xc2: {  	(tm) =	ssettm $0x7FFFFFFF  }
0xc3: {  	_ =	shalt  }
tec
execute0_lowered:
.L_overlay_start_1:
0x0: {  	(tag) =	ssettag $0x1  }
0x1: {  	s0 =	srdreg.scid;
	s1 =	rddreg [dreg:$0x0]  }
0x2: {  	s9 =	stileid.u32;
	s5 =	rddreg [dreg:$0x1];
	s2 =	simm.s32 $0x0  }
0x3: {  	s15 =	simm.s32 $0x9;
	s16 =	simm.s32 $0x80;
	s17 =	simm.s32 $0x6400  }
0x4: {  	s18 =	simm.s32 $0x48;
	s19 =	simm.s32 $0x8400;
	s0 =	sand.u32 $0x1, s0  }
0x5: {  	s3 =	sshll.u32 s9, $0x8;
	s23 =	smul.u32 $0x64000, s9;
	s4 =	sshll.u32 s0, $0x7  }
0x6: {  	s20 =	ssub.s32 $0x2, s0;
	s0 =	smul.u32 $0x32000, s0;
	s6 =	sor.u32 s4, s3  }
0x7: {  	s29 =	simm.s32 $0xE800;
	s30 =	simm.s32 $0x2;
	s3 =	smul.u32 $0x19, s6  }
0x8: {  	s28 =	simm.s32 $0x6;
	[smem:$0x7FF] =	sst s2;
	s4 =	smul.u32 $0x640, s6  }
0x9: {  	s31 =	simm.s32 $0x7;
	_ =	strace $0x80000047;
	s6 =	smul.u32 $0x3200, s6  }
0xa: {  	s8 =	sshrl.u32 s20, $0x1;
	s7 =	sadd.s32 s3, s1;
	s3 =	sadd.s32 $0xF42E00, s1  }
0xb: {  	s4 =	sadd.s32 s5, s4;
	s1 =	ssub.s32 s20, s8;
	s6 =	sshrl.u32 s6, $0x3  }
0xc: {  	s20 =	simm.s32 $0x11A00;
	s7 =	sadd.s32 $0xA00, s7;
	s21 =	sadd.s32 $0x640, s4  }
0xd: {  	s22 =	sadd.s32 $0xC80, s4;
	s24 =	sadd.s32 $0x12C0, s4;
	[dreg:$0x3] =	wrdreg s7  }
0xe: {  	s6 =	sadd.s32 s5, s6;
	s5 =	sadd.s32 s23, s5;
	[dreg:$0x4] =	wrdreg s21  }
0xf: {  	s13 =	smax.u32 s1, $0x1;
	s23 =	simm.s32 $0xB600;
	[dreg:$0x5] =	wrdreg s22  }
0x10: {  	s1 =	simm.s32 $0xFA00;
	[dreg:$0x6] =	wrdreg s24;
	s25 =	sadd.s32 $0x30700, s6  }
0x11: {  	s26 =	sadd.s32 $0x30D40, s6;
	s11 =	sadd.s32 $0x31380, s6;
	s12 =	sadd.s32 $0x319C0, s6  }
0x12: {  	s0 =	sadd.s32 s0, s5;
	s21 =	simm.s32 $0x9600;
	s24 =	simm.s32 $0x1  }
0x13: {  	s22 =	simm.s32 $0x3;
	s5 =	simm.s32 $0x8;
	[dreg:$0x7] =	wrdreg s25  }
0x14: {  	s6 =	simm.s32 $0x0;
	[dreg:$0x8] =	wrdreg s26;
	s14 =	sadd.s32 $0x1900, s0  }
0x15: {  	s26 =	simm.s32 $0xC800;
	s25 =	simm.s32 $0x5;
	s0 =	simm.s32 $0x4  }
.LBB2_1:
0x16: {  	s7 =	rddreg [dreg:$0x3]  }
0x17: {  	[tilespmem:s2], [sflag:$0x9] =	stream.linear.gather [hbm4b:s7+s2], $0x6400, $0x38;
	[tilespmem:$0x12C00] =	vst v63  }
0x18: {  	_ =	swait.ge [sflag:s15], $0x6400  }
0x19: {  	[sflag:s15] =	ssyncset.done $0x0  }
0x1a: {  	[sflag:s15] =	ssyncadd.s32 $0xFFFF9C00  }
0x1b: {  	[tilespmem:s17], [sflag:$0x1] =	stream.indirect.gather [hbm4b:s3+s16], $0x40, s2, s16, $0xb8;
	[tilespmem:$0x12C00] =	vst v63  }
0x1c: {  	_ = 	snop  }
0x1d: {  	[tilespmem:s19], [sflag:$0x1] =	stream.indirect.gather [hbm4b:s3+s18], $0x40, s16, s18, $0xb8;
	[tilespmem:$0x12C00] =	vst v63  }
0x1e: {  	s9 =	simm.s32 $0xC8  }
0x1f: {  	[tilespmem:s21], [sflag:$0x2] =	stream.indirect.gather [hbm4b:s3+s16], $0x40, s9, s16, $0xb8;
	[tilespmem:$0x12C00] =	vst v63  }
0x20: {  	s10 =	simm.s32 $0x148  }
0x21: {  	[tilespmem:s23], [sflag:$0x2] =	stream.indirect.gather [hbm4b:s3+s18], $0x40, s10, s18, $0xb8;
	[tilespmem:$0x12C00] =	vst v63  }
0x22: {  	_ =	swait.ge [sflag:s24], $0x2000  }
0x23: {  	[sflag:s24] =	ssyncset.done $0x0  }
0x24: {  	[sflag:s24] =	ssyncadd.s32 $0xFFFFE000  }
0x25: {  	_ =	swait.ge [sflag:s24], $0x1200  }
0x26: {  	[sflag:s24] =	ssyncset.done $0x0  }
0x27: {  	[sflag:s24] =	ssyncadd.s32 $0xFFFFEE00  }
0x28: {  	[hbm4b:s4+s2] =	stream.linear.scatter [tilespmem:s17], [sflag:$0x5], $0x3200, $0x38;
	[tilespmem:$0x12C00] =	vst v63  }
0x29: {  	s8 =	simm.s32 $0x190  }
0x2a: {  	[tilespmem:s26], [sflag:$0x3] =	stream.indirect.gather [hbm4b:s3+s16], $0x40, s8, s16, $0xb8;
	[tilespmem:$0x12C00] =	vst v63  }
0x2b: {  	s9 =	simm.s32 $0x210  }
0x2c: {  	[tilespmem:s29], [sflag:$0x3] =	stream.indirect.gather [hbm4b:s3+s18], $0x40, s9, s18, $0xb8;
	[tilespmem:$0x12C00] =	vst v63  }
0x2d: {  	_ =	swait.ge [sflag:s30], $0x2000  }
0x2e: {  	[sflag:s30] =	ssyncset.done $0x0  }
0x2f: {  	[sflag:s30] =	ssyncadd.s32 $0xFFFFE000  }
0x30: {  	_ =	swait.ge [sflag:s30], $0x1200  }
0x31: {  	[sflag:s30] =	ssyncset.done $0x0  }
0x32: {  	s10 =	rddreg [dreg:$0x4];
	[sflag:s30] =	ssyncadd.s32 $0xFFFFEE00  }
0x33: {  	[hbm4b:s10+s2] =	stream.linear.scatter [tilespmem:s21], [sflag:$0x6], $0x3200, $0x38;
	[tilespmem:$0x12C00] =	vst v63  }
0x34: {  	s8 =	simm.s32 $0x258  }
0x35: {  	[tilespmem:s1], [sflag:$0x4] =	stream.indirect.gather [hbm4b:s3+s16], $0x40, s8, s16, $0xb8;
	[tilespmem:$0x12C00] =	vst v63  }
0x36: {  	s9 =	simm.s32 $0x2D8  }
0x37: {  	[tilespmem:s20], [sflag:$0x4] =	stream.indirect.gather [hbm4b:s3+s18], $0x40, s9, s18, $0xb8;
	[tilespmem:$0x12C00] =	vst v63  }
0x38: {  	_ =	swait.ge [sflag:s22], $0x2000  }
0x39: {  	[sflag:s22] =	ssyncset.done $0x0  }
0x3a: {  	[sflag:s22] =	ssyncadd.s32 $0xFFFFE000  }
0x3b: {  	_ =	swait.ge [sflag:s22], $0x1200  }
0x3c: {  	[sflag:s22] =	ssyncset.done $0x0  }
0x3d: {  	s10 =	rddreg [dreg:$0x5];
	[sflag:s22] =	ssyncadd.s32 $0xFFFFEE00  }
0x3e: {  	[hbm4b:s10+s2] =	stream.linear.scatter [tilespmem:s26], [sflag:$0x7], $0x3200, $0x38;
	[tilespmem:$0x12C00] =	vst v63  }
0x3f: {  	_ =	swait.ge [sflag:s25], $0x3200  }
0x40: {  	[sflag:s25] =	ssyncset.done $0x0  }
0x41: {  	s8 =	simm.s32 $0x320;
	[sflag:s25] =	ssyncadd.s32 $0xFFFFCE00  }
0x42: {  	[tilespmem:s17], [sflag:$0x1] =	stream.indirect.gather [hbm4b:s3+s16], $0x40, s8, s16, $0xb8;
	[tilespmem:$0x12C00] =	vst v63  }
0x43: {  	s9 =	simm.s32 $0x3A0  }
0x44: {  	[tilespmem:s19], [sflag:$0x1] =	stream.indirect.gather [hbm4b:s3+s18], $0x40, s9, s18, $0xb8;
	[tilespmem:$0x12C00] =	vst v63  }
0x45: {  	_ =	swait.ge [sflag:s0], $0x2000  }
0x46: {  	[sflag:s0] =	ssyncset.done $0x0  }
0x47: {  	[sflag:s0] =	ssyncadd.s32 $0xFFFFE000  }
0x48: {  	_ =	swait.ge [sflag:s0], $0x1200  }
0x49: {  	[sflag:s0] =	ssyncset.done $0x0  }
0x4a: {  	s10 =	rddreg [dreg:$0x6];
	[sflag:s0] =	ssyncadd.s32 $0xFFFFEE00  }
0x4b: {  	[hbm4b:s10+s2] =	stream.linear.scatter [tilespmem:s1], [sflag:$0x8], $0x3200, $0x38;
	[tilespmem:$0x12C00] =	vst v63  }
0x4c: {  	_ =	swait.ge [sflag:s28], $0x3200  }
0x4d: {  	[sflag:s28] =	ssyncset.done $0x0  }
0x4e: {  	s8 =	simm.s32 $0x3E8;
	[sflag:s28] =	ssyncadd.s32 $0xFFFFCE00  }
0x4f: {  	[tilespmem:s21], [sflag:$0x2] =	stream.indirect.gather [hbm4b:s3+s16], $0x40, s8, s16, $0xb8;
	[tilespmem:$0x12C00] =	vst v63  }
0x50: {  	s9 =	simm.s32 $0x468  }
0x51: {  	[tilespmem:s23], [sflag:$0x2] =	stream.indirect.gather [hbm4b:s3+s18], $0x40, s9, s18, $0xb8;
	[tilespmem:$0x12C00] =	vst v63  }
0x52: {  	_ =	swait.ge [sflag:s24], $0x2000  }
0x53: {  	[sflag:s24] =	ssyncset.done $0x0  }
0x54: {  	[sflag:s24] =	ssyncadd.s32 $0xFFFFE000  }
0x55: {  	_ =	swait.ge [sflag:s24], $0x1200  }
0x56: {  	[sflag:s24] =	ssyncset.done $0x0  }
0x57: {  	[sflag:s24] =	ssyncadd.s32 $0xFFFFEE00  }
0x58: {  	[hbm4b:s14+s2] =	stream.linear.scatter [tilespmem:s17], [sflag:$0x5], $0x3200, $0x38;
	[tilespmem:$0x12C00] =	vst v63  }
0x59: {  	_ =	swait.ge [sflag:s31], $0x3200  }
0x5a: {  	[sflag:s31] =	ssyncset.done $0x0  }
0x5b: {  	s10 =	simm.s32 $0x4B0;
	[sflag:s31] =	ssyncadd.s32 $0xFFFFCE00  }
0x5c: {  	[tilespmem:s26], [sflag:$0x3] =	stream.indirect.gather [hbm4b:s3+s16], $0x40, s10, s16, $0xb8;
	[tilespmem:$0x12C00] =	vst v63  }
0x5d: {  	s8 =	simm.s32 $0x530  }
0x5e: {  	[tilespmem:s29], [sflag:$0x3] =	stream.indirect.gather [hbm4b:s3+s18], $0x40, s8, s18, $0xb8;
	[tilespmem:$0x12C00] =	vst v63  }
0x5f: {  	_ =	swait.ge [sflag:s30], $0x2000  }
0x60: {  	[sflag:s30] =	ssyncset.done $0x0  }
0x61: {  	[sflag:s30] =	ssyncadd.s32 $0xFFFFE000  }
0x62: {  	_ =	swait.ge [sflag:s30], $0x1200  }
0x63: {  	[sflag:s30] =	ssyncset.done $0x0  }
0x64: {  	s9 =	sadd.s32 $0x640, s14;
	[sflag:s30] =	ssyncadd.s32 $0xFFFFEE00  }
0x65: {  	[hbm4b:s9+s2] =	stream.linear.scatter [tilespmem:s21], [sflag:$0x6], $0x3200, $0x38;
	[tilespmem:$0x12C00] =	vst v63  }
0x66: {  	_ =	swait.ge [sflag:s5], $0x3200  }
0x67: {  	[sflag:s5] =	ssyncset.done $0x0  }
0x68: {  	s10 =	simm.s32 $0x578;
	[sflag:s5] =	ssyncadd.s32 $0xFFFFCE00  }
0x69: {  	[tilespmem:s1], [sflag:$0x4] =	stream.indirect.gather [hbm4b:s3+s16], $0x40, s10, s16, $0xb8;
	[tilespmem:$0x12C00] =	vst v63  }
0x6a: {  	s8 =	simm.s32 $0x5F8  }
0x6b: {  	[tilespmem:s20], [sflag:$0x4] =	stream.indirect.gather [hbm4b:s3+s18], $0x40, s8, s18, $0xb8;
	[tilespmem:$0x12C00] =	vst v63  }
0x6c: {  	_ =	swait.ge [sflag:s22], $0x2000  }
0x6d: {  	[sflag:s22] =	ssyncset.done $0x0  }
0x6e: {  	[sflag:s22] =	ssyncadd.s32 $0xFFFFE000  }
0x6f: {  	_ =	swait.ge [sflag:s22], $0x1200  }
0x70: {  	[sflag:s22] =	ssyncset.done $0x0  }
0x71: {  	s9 =	sadd.s32 $0xC80, s14;
	[sflag:s22] =	ssyncadd.s32 $0xFFFFEE00  }
0x72: {  	[hbm4b:s9+s2] =	stream.linear.scatter [tilespmem:s26], [sflag:$0x7], $0x3200, $0x38;
	[tilespmem:$0x12C00] =	vst v63  }
0x73: {  	_ =	swait.ge [sflag:s25], $0x3200  }
0x74: {  	[sflag:s25] =	ssyncset.done $0x0  }
0x75: {  	s10 =	simm.s32 $0x640;
	[sflag:s25] =	ssyncadd.s32 $0xFFFFCE00  }
0x76: {  	[tilespmem:s17], [sflag:$0x1] =	stream.indirect.gather [hbm4b:s3+s16], $0x40, s10, s16, $0xb8;
	[tilespmem:$0x12C00] =	vst v63  }
0x77: {  	s8 =	simm.s32 $0x6C0  }
0x78: {  	[tilespmem:s19], [sflag:$0x1] =	stream.indirect.gather [hbm4b:s3+s18], $0x40, s8, s18, $0xb8;
	[tilespmem:$0x12C00] =	vst v63  }
0x79: {  	_ =	swait.ge [sflag:s0], $0x2000  }
0x7a: {  	[sflag:s0] =	ssyncset.done $0x0  }
0x7b: {  	[sflag:s0] =	ssyncadd.s32 $0xFFFFE000  }
0x7c: {  	_ =	swait.ge [sflag:s0], $0x1200  }
0x7d: {  	[sflag:s0] =	ssyncset.done $0x0  }
0x7e: {  	s9 =	sadd.s32 $0x12C0, s14;
	[sflag:s0] =	ssyncadd.s32 $0xFFFFEE00  }
0x7f: {  	[hbm4b:s9+s2] =	stream.linear.scatter [tilespmem:s1], [sflag:$0x8], $0x3200, $0x38;
	[tilespmem:$0x12C00] =	vst v63  }
0x80: {  	_ =	swait.ge [sflag:s28], $0x3200  }
0x81: {  	s7 =	simm.s32 $0xC80;
	s10 =	simm.s32 $0x708;
	[sflag:s28] =	ssyncset.done $0x0  }
0x82: {  	s8 =	sadd.s32 $0x1900, s14;
	s9 =	simm.s32 $0x788;
	[sflag:s28] =	ssyncadd.s32 $0xFFFFCE00  }
0x83: {  	[tilespmem:s21], [sflag:$0x2] =	stream.indirect.gather [hbm4b:s3+s16], $0x40, s10, s16, $0xb8;
	[tilespmem:$0x12C00] =	vst v63  }
.LBB2_2:
0x84: {  	[tilespmem:s23], [sflag:$0x2] =	stream.indirect.gather [hbm4b:s3+s18], $0x40, s9, s18, $0xb8;
	[tilespmem:$0x12C00] =	vst v63  }
0x85: {  	s9 =	smov.u32 s7  }
0x86: {  	p0 =	sne.s32 s7, $0x16A80;
	s7 =	sadd.s32 $0xC80, s7;
	_ =	swait.ge [sflag:s24], $0x2000  }
0x87: {  	[sflag:s24] =	ssyncset.done $0x0  }
0x88: {  	[sflag:s24] =	ssyncadd.s32 $0xFFFFE000  }
0x89: {  	_ =	swait.ge [sflag:s24], $0x1200  }
0x8a: {  	[sflag:s24] =	ssyncset.done $0x0  }
0x8b: {  	[sflag:s24] =	ssyncadd.s32 $0xFFFFEE00  }
0x8c: {  	[hbm4b:s8+s2] =	stream.linear.scatter [tilespmem:s17], [sflag:$0x5], $0x3200, $0x38;
	[tilespmem:$0x12C00] =	vst v63  }
0x8d: {  	_ =	swait.ge [sflag:s31], $0x3200  }
0x8e: {  	s9 =	sshra.s32 s9, $0x2;
	[sflag:s31] =	ssyncset.done $0x0  }
0x8f: {  	s10 =	sadd.s32 $0x4B0, s9;
	[sflag:s31] =	ssyncadd.s32 $0xFFFFCE00  }
0x90: {  	[tilespmem:s26], [sflag:$0x3] =	stream.indirect.gather [hbm4b:s3+s16], $0x40, s10, s16, $0xb8;
	[tilespmem:$0x12C00] =	vst v63  }
0x91: {  	s10 =	sadd.s32 $0x530, s9  }
0x92: {  	[tilespmem:s29], [sflag:$0x3] =	stream.indirect.gather [hbm4b:s3+s18], $0x40, s10, s18, $0xb8;
	[tilespmem:$0x12C00] =	vst v63  }
0x93: {  	_ =	swait.ge [sflag:s30], $0x2000  }
0x94: {  	[sflag:s30] =	ssyncset.done $0x0  }
0x95: {  	[sflag:s30] =	ssyncadd.s32 $0xFFFFE000  }
0x96: {  	_ =	swait.ge [sflag:s30], $0x1200  }
0x97: {  	[sflag:s30] =	ssyncset.done $0x0  }
0x98: {  	s10 =	sadd.s32 $0x640, s8;
	[sflag:s30] =	ssyncadd.s32 $0xFFFFEE00  }
0x99: {  	[hbm4b:s10+s2] =	stream.linear.scatter [tilespmem:s21], [sflag:$0x6], $0x3200, $0x38;
	[tilespmem:$0x12C00] =	vst v63  }
0x9a: {  	_ =	swait.ge [sflag:s5], $0x3200  }
0x9b: {  	[sflag:s5] =	ssyncset.done $0x0  }
0x9c: {  	s10 =	sadd.s32 $0x578, s9;
	[sflag:s5] =	ssyncadd.s32 $0xFFFFCE00  }
0x9d: {  	[tilespmem:s1], [sflag:$0x4] =	stream.indirect.gather [hbm4b:s3+s16], $0x40, s10, s16, $0xb8;
	[tilespmem:$0x12C00] =	vst v63  }
0x9e: {  	s10 =	sadd.s32 $0x5F8, s9  }
0x9f: {  	[tilespmem:s20], [sflag:$0x4] =	stream.indirect.gather [hbm4b:s3+s18], $0x40, s10, s18, $0xb8;
	[tilespmem:$0x12C00] =	vst v63  }
0xa0: {  	_ =	swait.ge [sflag:s22], $0x2000  }
0xa1: {  	[sflag:s22] =	ssyncset.done $0x0  }
0xa2: {  	[sflag:s22] =	ssyncadd.s32 $0xFFFFE000  }
0xa3: {  	_ =	swait.ge [sflag:s22], $0x1200  }
0xa4: {  	[sflag:s22] =	ssyncset.done $0x0  }
0xa5: {  	s10 =	sadd.s32 $0xC80, s8;
	[sflag:s22] =	ssyncadd.s32 $0xFFFFEE00  }
0xa6: {  	[hbm4b:s10+s2] =	stream.linear.scatter [tilespmem:s26], [sflag:$0x7], $0x3200, $0x38;
	[tilespmem:$0x12C00] =	vst v63  }
0xa7: {  	_ =	swait.ge [sflag:s25], $0x3200  }
0xa8: {  	[sflag:s25] =	ssyncset.done $0x0  }
0xa9: {  	s10 =	sadd.s32 $0x640, s9;
	[sflag:s25] =	ssyncadd.s32 $0xFFFFCE00  }
0xaa: {  	[tilespmem:s17], [sflag:$0x1] =	stream.indirect.gather [hbm4b:s3+s16], $0x40, s10, s16, $0xb8;
	[tilespmem:$0x12C00] =	vst v63  }
0xab: {  	s10 =	sadd.s32 $0x6C0, s9  }
0xac: {  	[tilespmem:s19], [sflag:$0x1] =	stream.indirect.gather [hbm4b:s3+s18], $0x40, s10, s18, $0xb8;
	[tilespmem:$0x12C00] =	vst v63  }
0xad: {  	_ =	swait.ge [sflag:s0], $0x2000  }
0xae: {  	[sflag:s0] =	ssyncset.done $0x0  }
0xaf: {  	[sflag:s0] =	ssyncadd.s32 $0xFFFFE000  }
0xb0: {  	_ =	swait.ge [sflag:s0], $0x1200  }
0xb1: {  	[sflag:s0] =	ssyncset.done $0x0  }
0xb2: {  	s10 =	sadd.s32 $0x12C0, s8;
	[sflag:s0] =	ssyncadd.s32 $0xFFFFEE00  }
0xb3: {  	[hbm4b:s10+s2] =	stream.linear.scatter [tilespmem:s1], [sflag:$0x8], $0x3200, $0x38;
	[tilespmem:$0x12C00] =	vst v63  }
.Ltmp0:
0xb4: {  	_ =	swait.ge [sflag:s28], $0x3200;
	(pc) =	sbr.rel @p0 .LBB2_2-.Ltmp0, $4  }
0xb5: {  	[sflag:s28] =	ssyncset.done $0x0  }
0xb6: {  	s10 =	sadd.s32 $0x708, s9;
	[sflag:s28] =	ssyncadd.s32 $0xFFFFCE00  }
0xb7: {  	[tilespmem:s21], [sflag:$0x2] =	stream.indirect.gather [hbm4b:s3+s16], $0x40, s10, s16, $0xb8;
	[tilespmem:$0x12C00] =	vst v63  }
0xb8: {  	s8 =	sadd.s32 $0x1900, s8;
	s9 =	sadd.s32 $0x788, s9  }
0xb9: {  	[tilespmem:s23], [sflag:$0x2] =	stream.indirect.gather [hbm4b:s3+s18], $0x40, s9, s18, $0xb8;
	[tilespmem:$0x12C00] =	vst v63  }
0xba: {  	_ =	swait.ge [sflag:s24], $0x2000  }
0xbb: {  	[sflag:s24] =	ssyncset.done $0x0  }
0xbc: {  	[sflag:s24] =	ssyncadd.s32 $0xFFFFE000  }
0xbd: {  	_ =	swait.ge [sflag:s24], $0x1200  }
0xbe: {  	[sflag:s24] =	ssyncset.done $0x0  }
0xbf: {  	s7 =	rddreg [dreg:$0x7];
	[sflag:s24] =	ssyncadd.s32 $0xFFFFEE00  }
0xc0: {  	[hbm4b:s7+s2] =	stream.linear.scatter [tilespmem:s17], [sflag:$0x5], $0x3200, $0x38;
	[tilespmem:$0x12C00] =	vst v63  }
0xc1: {  	_ =	swait.ge [sflag:s31], $0x3200  }
0xc2: {  	[sflag:s31] =	ssyncset.done $0x0  }
0xc3: {  	s9 =	simm.s32 $0x6270;
	[sflag:s31] =	ssyncadd.s32 $0xFFFFCE00  }
0xc4: {  	[tilespmem:s26], [sflag:$0x3] =	stream.indirect.gather [hbm4b:s3+s16], $0x40, s9, s16, $0xb8;
	[tilespmem:$0x12C00] =	vst v63  }
0xc5: {  	s10 =	simm.s32 $0x62F0  }
0xc6: {  	[tilespmem:s29], [sflag:$0x3] =	stream.indirect.gather [hbm4b:s3+s18], $0x40, s10, s18, $0xb8;
	[tilespmem:$0x12C00] =	vst v63  }
0xc7: {  	_ =	swait.ge [sflag:s30], $0x2000  }
0xc8: {  	[sflag:s30] =	ssyncset.done $0x0  }
0xc9: {  	[sflag:s30] =	ssyncadd.s32 $0xFFFFE000  }
0xca: {  	_ =	swait.ge [sflag:s30], $0x1200  }
0xcb: {  	[sflag:s30] =	ssyncset.done $0x0  }
0xcc: {  	s8 =	rddreg [dreg:$0x8];
	[sflag:s30] =	ssyncadd.s32 $0xFFFFEE00  }
0xcd: {  	[hbm4b:s8+s2] =	stream.linear.scatter [tilespmem:s21], [sflag:$0x6], $0x3200, $0x38;
	[tilespmem:$0x12C00] =	vst v63  }
0xce: {  	_ =	swait.ge [sflag:s5], $0x3200  }
0xcf: {  	[sflag:s5] =	ssyncset.done $0x0  }
0xd0: {  	s9 =	simm.s32 $0x6338;
	[sflag:s5] =	ssyncadd.s32 $0xFFFFCE00  }
0xd1: {  	[tilespmem:s1], [sflag:$0x4] =	stream.indirect.gather [hbm4b:s3+s16], $0x40, s9, s16, $0xb8;
	[tilespmem:$0x12C00] =	vst v63  }
0xd2: {  	s10 =	simm.s32 $0x63B8  }
0xd3: {  	[tilespmem:s20], [sflag:$0x4] =	stream.indirect.gather [hbm4b:s3+s18], $0x40, s10, s18, $0xb8;
	[tilespmem:$0x12C00] =	vst v63  }
0xd4: {  	_ =	swait.ge [sflag:s22], $0x2000  }
0xd5: {  	[sflag:s22] =	ssyncset.done $0x0  }
0xd6: {  	[sflag:s22] =	ssyncadd.s32 $0xFFFFE000  }
0xd7: {  	_ =	swait.ge [sflag:s22], $0x1200  }
0xd8: {  	[sflag:s22] =	ssyncset.done $0x0  }
0xd9: {  	[sflag:s22] =	ssyncadd.s32 $0xFFFFEE00  }
0xda: {  	[hbm4b:s11+s2] =	stream.linear.scatter [tilespmem:s26], [sflag:$0x7], $0x3200, $0x38;
	[tilespmem:$0x12C00] =	vst v63  }
0xdb: {  	_ =	swait.ge [sflag:s0], $0x2000  }
0xdc: {  	[sflag:s0] =	ssyncset.done $0x0  }
0xdd: {  	[sflag:s0] =	ssyncadd.s32 $0xFFFFE000  }
0xde: {  	_ =	swait.ge [sflag:s0], $0x1200  }
0xdf: {  	[sflag:s0] =	ssyncset.done $0x0  }
0xe0: {  	[sflag:s0] =	ssyncadd.s32 $0xFFFFEE00  }
0xe1: {  	[hbm4b:s12+s2] =	stream.linear.scatter [tilespmem:s1], [sflag:$0x8], $0x3200, $0x38;
	[tilespmem:$0x12C00] =	vst v63  }
0xe2: {  	_ =	swait.ge [sflag:s25], $0x3200  }
0xe3: {  	[sflag:s25] =	ssyncset.done $0x0  }
0xe4: {  	[sflag:s25] =	ssyncadd.s32 $0xFFFFCE00  }
0xe5: {  	_ =	swait.ge [sflag:s28], $0x3200  }
0xe6: {  	[sflag:s28] =	ssyncset.done $0x0  }
0xe7: {  	s6 =	sadd.s32 $0x1, s6;
	[sflag:s28] =	ssyncadd.s32 $0xFFFFCE00  }
0xe8: {  	p0 =	sne.s32 s6, s13;
	_ =	swait.ge [sflag:s31], $0x3200  }
.Ltmp1:
0xe9: {  	[sflag:s31] =	ssyncset.done $0x0;
	(pc) =	sbr.rel @p0 .LBB2_1-.Ltmp1, $4  }
0xea: {  	[sflag:s31] =	ssyncadd.s32 $0xFFFFCE00  }
0xeb: {  	_ =	swait.ge [sflag:s5], $0x3200  }
0xec: {  	[sflag:s5] =	ssyncset.done $0x0  }
0xed: {  	[sflag:s5] =	ssyncadd.s32 $0xFFFFCE00  }
0xee: {  	_ =	sfence.sel $0x180000  }
0xef: {  	[bflag:$0x0] =	sbarrier.arrive $0xFFFF  }
0xf0: {  	_ =	strace $0x90000047  }
0xf1: {  	s0 =	stileid.u32;
	[bflag:$0x2] =	sbarrier.arrive $0xFFFF  }
0xf2: {  	p0 =	sne.s32 s0, $0x0;
	s0 =	rddreg [dreg:$0x2]  }
0xf3: {  	s0 =	sadd.s32 @!p0 $0x100000, s0  }
0xf4: {  	[sflag:s0] =	ssyncadd.tile.s32 @!p0 $0x1;
	_ =	shalt  }
.Lfunc_end2:
_tile_overlayer_lowered:
.L_overlay_start_2:
0xf5: {  	(tag) =	ssettag $0x2  }
0xf6: {  	s0 =	rddreg [dreg:$0x0];
	s2 =	stileid.u32  }
0xf7: {  	s1 =	rddreg [dreg:$0x1];
	p0 =	sne.s32 s2, $0x0  }
0xf8: {  	s3 =	rddreg [dreg:$0x2];
	[bflag:$0x3] =	sbarrier.arrive $0xFFFF;
	s2 =	simm.s32 @!p0 $0x1C09  }
0xf9: {  	[timem:s3], [sflag:s2] =	dma.local @!p0 [hbm:s0], s1  }
0xfa: {  	s0 =	simm.s32 @!p0 $0x9  }
0xfb: {  	_ =	swait.ge @!p0 [sflag:s0], s1  }
0xfc: {  	s1 =	ssub.s32 @!p0 $0x0, s1;
	[sflag:s0] =	ssyncset.done @!p0 $0x0  }
0xfd: {  	[sflag:s0] =	ssyncadd.s32 @!p0 s1  }
0xfe: {  	[bflag:$0x3] =	sbarrier.arrive $0xFFFF  }
0xff: {  	_ =	shalt  }

// kernel: sparse-core-data-format-call.cloned.1.call-start
scs
called_computation_lowered:
.L_overlay_start_0:
0x0: {  	s2 =	sld [smem:$0x3FD9]  }
0x1: {  	s3 =	sld [smem:$0x3FFE];
	_ =	sdelay $0x1  }
0x2: {  	s1 =	srdreg.scid  }
0x3: {  	s0 =	sand.u32 $0x1, s1  }
0x4: {  	s18 =	sshll.u32 s0, $0xA;
	s2 =	sadd.s32 s3, s2  }
0x5: {  	s2 =	sadd.s32 s2, s18  }
0x6: {  	[smem:$0x3FC6] =	sst s2  }
0x7: {  	_ = 	snop  }
0x8: {  	s2 =	sld [smem:$0x3FD0];
	(tm) =	ssettm $0x1  }
0x9: {  	s19 =	sld [smem:$0x3FFB];
	_ =	sdelay $0x3  }
0xa: {  	_ =	strace s19  }
0xb: {  	s3 =	sld [smem:$0x3FFC];
	_ =	sdelay $0x3  }
0xc: {  	_ =	strace s3  }
0xd: {  	s3 =	sld [smem:$0x3FFD];
	_ =	sdelay $0x3  }
0xe: {  	_ =	strace s3  }
0xf: {  	_ =	strace $0x8FFFFFFF  }
0x10: {  	s20 =	sld [smem:$0x3FDB];
	_ =	sdelay $0x1  }
0x11: {  	s4 =	simm.s32 $_scs_section_size  }
0x12: {  	s5 =	simm.s32 $_size__tile_overlayer_lowered;
	s6 =	simm.s32 $_tile_overlayer_lowered  }
0x13: {  	s23 =	simm.s32 $0x1BFF;
	s22 =	sshll.u32 s6, $0x1;
	s3 =	sadd.s32 s4, s20  }
0x14: {  	s7 =	simm.s32 $0x0;
	s21 =	sshll.u32 s5, $0x1;
	s5 =	sadd.s32 s22, s3  }
0x15: {  	[timem:s7], [sflag:s23] =	dma.local [hbm:s5], s21  }
0x16: {  	_ =	swait.ge [sflag:s23], s21  }
0x17: {  	s4 =	ssub.s32 $0x0, s21;
	[sflag:s23] =	ssyncset.done $0x0  }
0x18: {  	[sflag:s23] =	ssyncadd.s32 s4;
	_ =	sdelay $0x1  }
0x19: {  	s24 =	simm.s32 $0x1B8B  }
0x1a: {  	_ =	swait.ge [sflag:s24], $0x1  }
0x1b: {  	[sflag:s24] =	ssyncset.done $0x0  }
0x1c: {  	s26 =	simm.s32 $0x1B8E;
	s25 =	sld [smem:$0x3FFE];
	[sflag:s24] =	ssyncadd.s32 $0xFFFFFFFF  }
0x1d: {  	s27 =	simm.s32 $execute0_lowered;
	[smem:$0x3FD2] =	sst s26  }
0x1e: {  	s5 =	sshll.u32 s27, $0x1;
	_ =	strace $0x80000049;
	[dreg:$0x1] =	wrdreg $0xFFFFFFFF  }
0x1f: {  	s28 =	simm.s32 $_size_execute0_lowered;
	s3 =	sadd.s32 s3, s5;
	[dreg:$0x0] =	wrdreg $0x0  }
0x20: {  	s5 =	sshll.u32 s28, $0x1;
	[dreg:$0x2] =	wrdreg s3  }
0x21: {  	[dreg:$0x3] =	wrdreg s5  }
0x22: {  	[dreg:$0x4] =	wrdreg $0xC0  }
0x23: {  	_ =	task [dreg:s7], $0x5FFFF  }
0x24: {  	[dreg:$0x1] =	wrdreg $0xFFFFFFFF  }
0x25: {  	[dreg:$0x0] =	wrdreg $0x60  }
0x26: {  	[dreg:$0x2] =	wrdreg s25  }
0x27: {  	[dreg:$0x3] =	wrdreg s2  }
0x28: {  	[dreg:$0x4] =	wrdreg $0x9  }
0x29: {  	_ =	task.clear_ibuf [dreg:s7], $0x5FFFF;
	_ =	strace $0x90000049  }
0x2a: {  	s29 =	simm.s32 $0x9;
	_ =	strace $0x8000004B  }
0x2b: {  	_ =	swait.ge [sflag:s29], $0x1  }
0x2c: {  	[sflag:s29] =	ssyncadd.s32 $0xFFFFFFFF  }
0x2d: {  	_ =	strace $0x9000004B  }
0x2e: {  	_ =	sfence  }
0x2f: {  	s30 =	sld [smem:$0x0];
	_ =	sdelay $0x2  }
0x30: {  	s31 =	sshll.u32 s1, $0xD;
	s1 =	sshrl.u32 s1, $0x2  }
0x31: {  	s3 =	sand.u32 $0x4000, s31;
	s1 =	sadd.s32 s1, s30  }
0x32: {  	s0 =	sor.u32 s3, s0;
	s1 =	sshll.u32 s1, $0x11  }
0x33: {  	s0 =	sor.u32 s1, s0  }
0x34: {  	s0 =	sadd.s32 $0x8F2B, s0  }
0x35: {  	[sflag:s0] =	ssyncadd.remote.s32 $0x1  }
0x36: {  	_ =	sfence.sel $0xFFFF  }
0x37: {  	[dreg:$0x0] =	wrdreg $0xFFFFFFFF;
	(pc) =	sbr.abs _section_cstart, $3  }
0x38: {  	[dreg:$0x1] =	wrdreg $0xFFFFFFFF  }
0x39: {  	_ =	task.clear_ibuf [dreg:s7], $0x2FFFF;
	_ =	strace $0x9FFFFFFF  }
0x3a: {  	(tm) =	ssettm $0x7FFFFFFF  }
0x3b: {  	_ =	shalt  }
tec
execute0_lowered:
.L_overlay_start_1:
0x0: {  	(tag) =	ssettag $0x1  }
0x1: {  	s0 =	srdreg.scid  }
0x2: {  	s1 =	sshll.u32 s0, $0x4  }
0x3: {  	s0 =	stileid.u32;
	s1 =	sand.u32 $0x10, s1  }
0x4: {  	s1 =	sor.u32 s0, s1  }
0x5: {  	s6 =	rddreg [dreg:$0x0];
	s4 =	simm.s32 $0x1;
	s2 =	sshll.u32 s1, $0x7  }
0x6: {  	s7 =	simm.s32 $0x2;
	s12 =	simm.s32 $0x0;
	s1 =	ssub.s32 $0x1000, s2  }
0x7: {  	s8 =	simm.s32 $0x8000;
	s13 =	simm.s32 $0x0;
	s3 =	sand.u32 $0xF80, s1  }
0x8: {  	s9 =	simm.s32 $0x0;
	s5 =	sshrl.u32 s1, $0xC;
	p0 =	sne.s32 s3, $0x0  }
.Ltmp0:
0x9: {  	s1 =	rddreg [dreg:$0x2];
	s4 =	simm.s32 @!p0 $0x0;
	(pc) =	sbr.rel .LBB1_1-.Ltmp0, $4  }
0xa: {  	s11 =	simm.s32 $0x0;
	s3 =	rddreg [dreg:$0x1];
	s5 =	sadd.s32 s4, s5  }
0xb: {  	_ =	strace $0x8000004A;
	s4 =	simm.s32 $0x1;
	s5 =	smul.u32 $0xC8, s5  }
0xc: {  	s6 =	sadd.s32 $0xA00, s6;
	s10 =	smov.u32 s2;
	[sflag:s4] =	ssyncpa.u1 $0x0  }
0xd: {  	p0 =	por $0x0, $0x0;
	[sflag:s7] =	ssyncpa.u1 $0x0;
	s7 =	sor.u32 $0x1, s5  }
.LBB1_4:
0xe: {  	s16 =	sshll.u32 s13, $0x3;
	s17 =	sand.u32 $0x78, s13  }
0xf: {  	s30 =	sand.u32 $0x7E00, s13;
	s12 =	sshll.u32 s12, $0xF;
	s16 =	sand.u32 $0xC00, s16  }
0x10: {  	[tilespmem:s15+$0x810 ss:$0x81] =	vst.msk $0xffff, v2;
	s31 =	sand.u32 $0x7, s13;
	s16 =	sor.u32 s17, s16;
	s17 =	sadd.s32 s3, s30  }
0x11: {  	[tilespmem:s15+$0x1020 ss:$0x81] =	vst.msk $0xffff, v0;
	s13 =	sshll.u32 s31, $0x12;
	s12 =	sadd.s32 s12, s17;
	s16 =	sshrl.u32 s16, $0x3  }
0x12: {  	[tilespmem:s15+$0x0 ss:$0x81] =	vst.msk $0xffff, v1;
	s13 =	sor.u32 $0x400, s13;
	s12 =	sadd.s32 s16, s12  }
0x13: {  	[hbm4b:s12+s13] =	stream.strided.scatter [tilespmem:s14], [sflag:$0x2], $0x2000, s8, s13, $0x20;
	[tilespmem:$0x8080] =	vst v63  }
.LBB1_5:
0x14: {  	s14 =	sadd.s32 $0x1, s9  }
0x15: {  	s12 =	sadd.s32 $0x1000, s10;
	s16 =	smov.u32 s10;
	p2 =	sgt.s32 s14, $0xC7  }
0x16: {  	s16 =	smov.u32 @p2 s12  }
0x17: {  	s14 =	simm.s32 @p2 $0x0;
	p2 =	sgt.s32 s16, $0xFFF  }
0x18: {  	s16 =	smov.u32 @p2 s2;
	p2 =	sne.s32 s11, s7  }
.Ltmp1:
0x19: {  	p1 =	slt.u32 s11, $0x2;
	(pc) =	sbr.rel @!p2 .LBB1_6-.Ltmp1, $4  }
0x1a: {  	s15 =	simm.s32 @!p1 $0x2  }
0x1b: {  	s13 =	smov.u32 s10;
	p0 =	por !p0, !p0;
	_ =	swait.ge @!p1 [sflag:s15], $0x2000  }
0x1c: {  	s12 =	smov.u32 s9;
	[sflag:s15] =	ssyncset.done @!p1 $0x0;
	s9 =	smov.u32 s14  }
0x1d: {  	s11 =	sadd.s32 $0x1, s11;
	[sflag:s15] =	ssyncadd.s32 @!p1 $0xFFFFE000;
	s10 =	smov.u32 s16  }
.LBB1_1:
0x1e: {  	p1 =	sge.u32 s11, s5  }
0x1f: {  	s14 =	sand.u32 @!p1 $0x1FFFFFF, s9  }
0x20: {  	s15 =	smulhi.u32 @!p1 $0x147AE15, s14;
	_ =	sdelay $0x1  }
0x21: {  	s15 =	smul.u32 @!p1 $0xC8, s15  }
0x22: {  	s16 =	sxor.u32 @!p1 $0xFFFFFFFF, s11;
	s17 =	smul.u32 @!p1 $0xC80, s10  }
0x23: {  	s31 =	sadd.s32 $0xFFFFFFFF, s11;
	s16 =	sshll.u32 @!p1 s16, $0xD;
	s14 =	ssub.s32 @!p1 s14, s15  }
0x24: {  	s15 =	sand.u32 @!p1 $0x2000, s16;
	s16 =	sadd.s32 @!p1 s6, s17;
	s14 =	sshll.u32 @!p1 s14, $0x4  }
0x25: {  	s17 =	simm.s32 @!p1 $0x6400;
	s14 =	sadd.s32 @!p1 s14, s16;
	s16 =	simm.s32 @!p1 $0x40  }
0x26: {  	[tilespmem:s15], [sflag:$0x1] =	stream.strided.gather @!p1 [hbm4b:s14+s16], $0x2000, s17, s16, $0x38;
	[tilespmem:$0x8080] =	vst v63  }
0x27: {  	p1 =	sge.u32 s31, s5  }
.Ltmp2:
0x28: {  	_ = 	snop;
	(pc) =	sbr.rel @p1 .LBB1_5-.Ltmp2, $1  }
0x29: {  	_ =	sdelay $0x3  }
0x2a: {  	s14 =	simm.s32 $0x1  }
0x2b: {  	_ =	swait.ge [sflag:s4], $0x2000;
	s14 =	simm.s32 @!p0 $0x0  }
0x2c: {  	[sflag:s4] =	ssyncset.done $0x0;
	s15 =	sshll.u32 s14, $0xD  }
0x2d: {  	[sflag:s4] =	ssyncadd.s32 $0xFFFFE000;
	s18 =	sor.u32 $0x20, s15  }
0x2e: {  	s14 =	smul.u32 $0x8100, s14;
	v3 =	vld [tilespmem:s18+$0x10]  }
0x2f: {  	s30 =	sand.u32 $0x1, s11;
	v2 =	vld [tilespmem:s18+$0xFFFFFFF0]  }
0x30: {  	s15 =	smul.u32 $0x8100, s30;
	s14 =	sshrl.u32 s14, $0x2;
	v0 =	vld [tilespmem:s18+$0x0]  }
0x31: {  	v1 =	vld [tilespmem:s18+$0xFFFFFFE0];
	s16 =	sor.u32 $0x4000, s14  }
0x32: {  	s31 =	sshrl.u32 s15, $0x2;
	s15 =	sadd.s32 $0x0, s16  }
0x33: {  	s17 =	simm.s32 $0x4;
	s18 =	sadd.s32 $0x40, s18;
	s14 =	sor.u32 $0x4000, s31;
	[tilespmem:s15+$0x1830 ss:$0x81] =	vst.msk $0xffff, v3  }
.LBB1_3:
0x34: {  	v3 =	vld [tilespmem:s18+$0x10];
	p1 =	sne.s32 s17, $0x1FC;
	[tilespmem:s15+$0x810 ss:$0x81] =	vst.msk $0xffff, v2;
	s19 =	smov.u32 s17;
	s17 =	sadd.s32 $0x4, s17  }
.Ltmp3:
0x35: {  	v2 =	vld [tilespmem:s18+$0xFFFFFFF0];
	[tilespmem:s15+$0x1020 ss:$0x81] =	vst.msk $0xffff, v0;
	(pc) =	sbr.rel @p1 .LBB1_3-.Ltmp3, $4  }
0x36: {  	v0 =	vld [tilespmem:s18+$0x0];
	[tilespmem:s15+$0x0 ss:$0x81] =	vst.msk $0xffff, v1  }
0x37: {  	s15 =	sshra.s32 s19, $0x2;
	v1 =	vld [tilespmem:s18+$0xFFFFFFE0]  }
0x38: {  	s15 =	sadd.s32 s15, s16  }
0x39: {  	s18 =	sadd.s32 $0x40, s18;
	[tilespmem:s15+$0x1830 ss:$0x81] =	vst.msk $0xffff, v3  }
.Ltmp4:
0x3a: {  	_ = 	snop;
	(pc) =	sbr.rel .LBB1_4-.Ltmp4, $1  }
0x3b: {  	_ =	sdelay $0x3  }
.LBB1_6:
0x3c: {  	_ =	sfence.sel $0x180000  }
0x3d: {  	s2 =	simm.s32 $0x1;
	[bflag:$0x0] =	sbarrier.arrive $0xFFFF  }
0x3e: {  	s31 =	simm.s32 $0x2;
	[sflag:s2] =	ssyncpa.u1 $0x1  }
0x3f: {  	[sflag:s31] =	ssyncpa.u1 $0x1  }
0x40: {  	p0 =	sne.s32 s0, $0x0;
	_ =	strace $0x9000004A  }
0x41: {  	s0 =	sadd.s32 @!p0 $0x100000, s1;
	[bflag:$0x2] =	sbarrier.arrive $0xFFFF  }
0x42: {  	[sflag:s0] =	ssyncadd.tile.s32 @!p0 $0x1;
	_ =	shalt  }
.Lfunc_end1:
_tile_overlayer_lowered:
.L_overlay_start_2:
0x43: {  	(tag) =	ssettag $0x2  }
0x44: {  	s0 =	rddreg [dreg:$0x0];
	s2 =	stileid.u32  }
0x45: {  	s1 =	rddreg [dreg:$0x1];
	p0 =	sne.s32 s2, $0x0  }
0x46: {  	s3 =	rddreg [dreg:$0x2];
	[bflag:$0x3] =	sbarrier.arrive $0xFFFF;
	s2 =	simm.s32 @!p0 $0x1C01  }
0x47: {  	[timem:s3], [sflag:s2] =	dma.local @!p0 [hbm:s0], s1  }
0x48: {  	s0 =	simm.s32 @!p0 $0x1  }
0x49: {  	_ =	swait.ge @!p0 [sflag:s0], s1  }
0x4a: {  	s1 =	ssub.s32 @!p0 $0x0, s1;
	[sflag:s0] =	ssyncset.done @!p0 $0x0  }
0x4b: {  	[sflag:s0] =	ssyncadd.s32 @!p0 s1  }
0x4c: {  	[bflag:$0x3] =	sbarrier.arrive $0xFFFF  }
0x4d: {  	_ =	shalt  }

</sc_bundles>
